<compile_context>
chip_gen: v7x
topology: tpu7x:2x2x1
jax: 0.10.2.dev20260603
libtpu: 0.0.44.dev20260713+nightly
codegen_flags: <defaults>
</compile_context>

<pallas_src>
import jax
import jax.numpy as jnp
from jax import lax
from jax.experimental import pallas as pl
from jax.experimental.pallas import tpu as pltpu
from jax.experimental.pallas import tpu_sc as plsc

SEQ_LEN = 512
CLS_ID = 101
SEP_ID = 102
PAD_ID = 0
BATCH = 16
TOTAL_TOKENS = 32768

_L = 16
_NC = 2
_NS = 16
_NW = _NC * _NS
_CHUNK = (BATCH * SEQ_LEN) // _NW
_WIN = 288
_WBUF = 832


def _body(cu_hbm, flat_hbm, out_hbm, cu_v, win_v, ov, sem, sem2):
    wid = lax.axis_index("s") * _NC + lax.axis_index("c")
    b = wid // 2
    h = wid % 2
    base = h * _CHUNK

    pltpu.sync_copy(cu_hbm.at[pl.ds(0, _L)], cu_v)
    iv = lax.iota(jnp.int32, _L)
    v0 = cu_v[...]
    pick_idx = jnp.minimum(
        jnp.full((_L,), b, jnp.int32) + jnp.where(iv == 0, 0, 1), _L - 1
    )
    picked = lax.gather(
        v0,
        pick_idx[:, None],
        lax.GatherDimensionNumbers(
            offset_dims=(), collapsed_slice_dims=(0,), start_index_map=(0,)
        ),
        slice_sizes=(1,),
        mode=lax.GatherScatterMode.PROMISE_IN_BOUNDS,
    )
    s = picked[0]
    e = jnp.where(b == BATCH - 1, jnp.int32(TOTAL_TOKENS), picked[1])
    t1 = jnp.minimum(e - s, SEQ_LEN - 2) + 1

    aoff = jnp.clip(s + base - 8, 0, TOTAL_TOKENS - _WIN) & ~jnp.int32(7)
    aoff = pl.multiple_of(aoff, 8)
    d8 = s + base + 7 - aoff
    c_win = pltpu.async_copy(
        flat_hbm.at[pl.ds(aoff, _WIN)], win_v.at[pl.ds(8, _WIN)], sem
    )

    for j in range(_CHUNK // _L):
        pos = base + j * _L + iv
        ov[pl.ds(_CHUNK + j * _L, _L)] = jnp.where(pos <= t1, jnp.int32(1), jnp.int32(0))
    c_mask = pltpu.async_copy(
        ov.at[pl.ds(_CHUNK, _CHUNK)], out_hbm.at[wid, pl.ds(_CHUNK, _CHUNK)], sem2
    )

    c_win.wait()
    for j in range(_CHUNK // _L):
        pos = base + j * _L + iv
        tok = win_v[pl.ds(d8 + j * _L, _L)]
        out = jnp.where(
            pos <= t1, jnp.where(pos == t1, jnp.int32(SEP_ID), tok), jnp.int32(PAD_ID)
        )
        if j == 0:
            out = jnp.where(pos == 0, jnp.int32(CLS_ID), out)
        ov[pl.ds(j * _L, _L)] = out

    c_tok = pltpu.async_copy(
        ov.at[pl.ds(0, _CHUNK)], out_hbm.at[wid, pl.ds(0, _CHUNK)], sem
    )
    c_mask.wait()
    c_tok.wait()


def kernel(flat_tokens, cu_seqlens):
    mesh = plsc.VectorSubcoreMesh(core_axis_name="c", subcore_axis_name="s")
    packed = pl.kernel(
        _body,
        mesh=mesh,
        out_type=jax.ShapeDtypeStruct((_NW, 2 * _CHUNK), jnp.int32),
        scratch_types=[
            pltpu.VMEM((_L,), jnp.int32),
            pltpu.VMEM((_WBUF,), jnp.int32),
            pltpu.VMEM((2 * _CHUNK,), jnp.int32),
            pltpu.SemaphoreType.DMA,
            pltpu.SemaphoreType.DMA,
        ],
    )(cu_seqlens.astype(jnp.int32), flat_tokens.astype(jnp.int32))
    token_ids = packed[:, :_CHUNK].reshape(BATCH, SEQ_LEN)
    padding_mask = packed[:, _CHUNK:].reshape(BATCH, SEQ_LEN).astype(jnp.bool_)
    return token_ids, padding_mask

# --- scband reference (transcript-rebuilt; emitter-appended) ---
"""Pipeline reference for scband-distil-bert-preprocessor-3143916061156 (READ-ONLY COPY).

The authoritative reference and input builder live on the scoring server;
editing this copy changes nothing except your own understanding.
"""

import jax, jax.numpy as jnp
import numpy as np

SEQ_LEN = 512
CLS_ID = 101
SEP_ID = 102
PAD_ID = 0
BATCH = 16
TOTAL_TOKENS = 32768
VOCAB = 30522


def setup_inputs(seed: int = 0) -> dict:
    key = jax.random.key(seed)
    k1, k2 = jax.random.split(key)
    # Pre-tokenized ragged corpus: flat wordpiece ids (surrogate for the string tokenizer
    # stage, which is not expressible in pure jnp). Values avoid special ids 0/101/102 region
    # by sampling from [1000, VOCAB).
    flat_tokens = jax.random.randint(k1, (TOTAL_TOKENS,), 1000, VOCAB, dtype=jnp.int32)
    # Ragged row offsets: cu_seqlens[b] .. cu_seqlens[b+1] delimit sample b's tokens.
    cu = jnp.sort(jax.random.randint(k2, (BATCH + 1,), 0, TOTAL_TOKENS, dtype=jnp.int32))
    cu = cu.at[0].set(0).at[-1].set(TOTAL_TOKENS)
    return {"flat_tokens": flat_tokens, "cu_seqlens": cu}


def reference(flat_tokens, cu_seqlens):
    # MultiSegmentPacker with a single segment: [CLS] tokens[:seq_len-2] [SEP] PAD...
    starts = cu_seqlens[:-1].astype(jnp.int32)
    lengths = (cu_seqlens[1:] - cu_seqlens[:-1]).astype(jnp.int32)
    trunc = jnp.minimum(lengths, SEQ_LEN - 2)  # round_robin == waterfall for 1 segment
    pos = jnp.arange(SEQ_LEN, dtype=jnp.int32)[None, :]            # [1, S]
    gidx = starts[:, None] + pos - 1                                # body token source index
    gidx = jnp.clip(gidx, 0, flat_tokens.shape[0] - 1)
    gathered = jnp.take(flat_tokens, gidx)                          # [B, S] ragged gather
    t = trunc[:, None]
    token_ids = jnp.where(
        pos == 0,
        jnp.int32(CLS_ID),
        jnp.where(
            pos <= t,
            gathered,
            jnp.where(pos == t + 1, jnp.int32(SEP_ID), jnp.int32(PAD_ID)),
        ),
    )
    padding_mask = token_ids != PAD_ID
    return token_ids, padding_mask

if __name__ == "__main__":
    import jax
    _d = setup_inputs()
    print(jax.jit(kernel)(*tuple(_d.values())))

</pallas_src>

<mosaic_0001>
#map = affine_map<(d0, d1) -> (0)>
#map1 = affine_map<(d0, d1) -> (0, 0)>
module attributes {stable_mosaic.version = 14 : i64} {
  func.func @_body(%arg0: i32, %arg1: i32, %arg2: memref<17xi32, #tpu.memory_space<hbm>>, %arg3: memref<32768xi32, #tpu.memory_space<hbm>>, %arg4: memref<32x512xi32, #tpu.memory_space<hbm>>, %arg5: memref<16xi32, #tpu.memory_space<vmem>>, %arg6: memref<832xi32, #tpu.memory_space<vmem>>, %arg7: memref<512xi32, #tpu.memory_space<vmem>>, %arg8: memref<!tpu.dma_semaphore, #tpu.memory_space<semaphore_mem>>, %arg9: memref<!tpu.dma_semaphore, #tpu.memory_space<semaphore_mem>>) attributes {dimension_semantics = [#tpu.dimension_semantics<core_parallel>, #tpu.dimension_semantics<subcore_parallel>], iteration_bounds = array<i64: 2, 16>, scalar_prefetch = 0 : i64, scratch_operands = 5 : i64, tpu.core_type = #tpu.core_type<sc_vector_subcore>, window_params = [{transform_indices = #map}, {transform_indices = #map}, {transform_indices = #map1}]} {
    %mul3A = arith.constant 2 : i32
    %mul3A_0 = arith.muli %arg1, %mul3A : i32
    %add3A = arith.addi %mul3A_0, %arg0 : i32
    %jit3A = arith.constant 2 : i32
    %div3A = arith.divsi %add3A, %jit3A : i32
    %sign3A = arith.constant 0 : i32
    %sign3A_1 = arith.cmpi sgt, %add3A, %sign3A : i32
    %sign3A_2 = arith.extui %sign3A_1 : i1 to i32
    %sign3A_3 = arith.constant 0 : i32
    %sign3A_4 = arith.cmpi slt, %add3A, %sign3A_3 : i32
    %sign3A_5 = arith.extui %sign3A_4 : i1 to i32
    %sign3A_6 = arith.subi %sign3A_2, %sign3A_5 : i32
    %sign3A_7 = arith.constant 0 : i32
    %sign3A_8 = arith.cmpi sgt, %jit3A, %sign3A_7 : i32
    %sign3A_9 = arith.extui %sign3A_8 : i1 to i32
    %sign3A_10 = arith.constant 0 : i32
    %sign3A_11 = arith.cmpi slt, %jit3A, %sign3A_10 : i32
    %sign3A_12 = arith.extui %sign3A_11 : i1 to i32
    %sign3A_13 = arith.subi %sign3A_9, %sign3A_12 : i32
    %ne3A = arith.cmpi ne, %sign3A_6, %sign3A_13 : i32
    %rem3A = arith.remsi %add3A, %jit3A : i32
    %ne3A_14 = arith.constant 0 : i32
    %ne3A_15 = arith.cmpi ne, %rem3A, %ne3A_14 : i32
    %and3A = arith.andi %ne3A, %ne3A_15 : i1
    %sub3A = arith.constant 1 : i32
    %sub3A_16 = arith.subi %div3A, %sub3A : i32
    %select_n3A = arith.select %and3A, %sub3A_16, %div3A : i32
    %jit3A_17 = arith.constant 2 : i32
    %eq3A = arith.constant 0 : i32
    %eq3A_18 = arith.cmpi eq, %jit3A_17, %eq3A : i32
    %jit3A_19 = arith.constant 1 : i32
    %select_n3A_20 = arith.select %eq3A_18, %jit3A_19, %jit3A_17 : i32
    %rem3A_21 = arith.remsi %add3A, %select_n3A_20 : i32
    %ne3A_22 = arith.constant 0 : i32
    %ne3A_23 = arith.cmpi ne, %rem3A_21, %ne3A_22 : i32
    %lt3A = arith.constant 0 : i32
    %lt3A_24 = arith.cmpi slt, %rem3A_21, %lt3A : i32
    %lt3A_25 = arith.constant 0 : i32
    %lt3A_26 = arith.cmpi slt, %select_n3A_20, %lt3A_25 : i32
    %ne3A_27 = arith.xori %lt3A_24, %lt3A_26 : i1
    %and3A_28 = arith.andi %ne3A_27, %ne3A_23 : i1
    %add3A_29 = arith.addi %rem3A_21, %select_n3A_20 : i32
    %select_n3A_30 = arith.select %and3A_28, %add3A_29, %rem3A_21 : i32
    %mul3A_31 = arith.constant 256 : i32
    %mul3A_32 = arith.muli %select_n3A_30, %mul3A_31 : i32
    "tpu.region"() ({
      %run_scoped3A = tpu.sem_alloc : memref<!tpu.dma_semaphore, #tpu.memory_space<semaphore_mem>>
      %dma_start3A_734 = arith.constant 0 : i32
      %dma_start3A_735 = tpu.memref_slice %arg2[%dma_start3A_734] : memref<17xi32, #tpu.memory_space<hbm>> -> memref<16xi32, #tpu.memory_space<hbm>>
      %dma_start3A_736 = arith.constant 0 : i32
      %dma_start3A_737 = tpu.memref_slice %arg2[%dma_start3A_736] : memref<17xi32, #tpu.memory_space<hbm>> -> memref<16xi32, #tpu.memory_space<hbm>>
      tpu.enqueue_dma source(%dma_start3A_737 : memref<16xi32, #tpu.memory_space<hbm>>) target(%arg5 : memref<16xi32, #tpu.memory_space<vmem>>) target_semaphore(%run_scoped3A : memref<!tpu.dma_semaphore, #tpu.memory_space<semaphore_mem>>)
      %dma_wait3A_738 = arith.constant 0 : i32
      %dma_wait3A_739 = tpu.memref_slice %arg2[%dma_wait3A_738] : memref<17xi32, #tpu.memory_space<hbm>> -> memref<16xi32, #tpu.memory_space<hbm>>
      %dma_wait3A_740 = arith.constant 0 : i32
      %dma_wait3A_741 = tpu.memref_slice %arg2[%dma_wait3A_740] : memref<17xi32, #tpu.memory_space<hbm>> -> memref<16xi32, #tpu.memory_space<hbm>>
      tpu.wait_dma2 semaphore(%run_scoped3A : memref<!tpu.dma_semaphore, #tpu.memory_space<semaphore_mem>>) src(%dma_wait3A_741 : memref<16xi32, #tpu.memory_space<hbm>>) dst(%arg5 : memref<16xi32, #tpu.memory_space<vmem>>)
      tpu.yield
    }) : () -> ()
    %iota3A = tpu.iota {dimensions = array<i32: 0>} : vector<16xi32>
    %get3A = arith.constant 0 : index
    %get3A_33 = tpu.vector_load %arg5[%get3A] {strides = array<i32>} : memref<16xi32, #tpu.memory_space<vmem>>, vector<16xi32>,
    %get3A_34 = vector.shape_cast %get3A_33 : vector<16xi32> to vector<16xi32>
    %broadcast_in_dim3A = vector.broadcast %select_n3A : i32 to vector<16xi32>
    %eq3A_35 = arith.constant 0 : i32
    %eq3A_36 = vector.broadcast %eq3A_35 : i32 to vector<16xi32>
    %eq3A_37 = arith.cmpi eq, %iota3A, %eq3A_36 : vector<16xi32>
    %jit3A_38 = arith.constant 0 : i32
    %jit3A_39 = arith.constant 1 : i32
    %broadcast_in_dim3A_40 = vector.broadcast %jit3A_38 : i32 to vector<16xi32>
    %broadcast_in_dim3A_41 = vector.broadcast %jit3A_39 : i32 to vector<16xi32>
    %select_n3A_42 = arith.select %eq3A_37, %broadcast_in_dim3A_40, %broadcast_in_dim3A_41 : vector<16xi1>, vector<16xi32>
    %add3A_43 = arith.addi %broadcast_in_dim3A, %select_n3A_42 : vector<16xi32>
    %min3A = arith.constant 15 : i32
    %min3A_44 = vector.broadcast %min3A : i32 to vector<16xi32>
    %min3A_45 = arith.minsi %add3A_43, %min3A_44 : vector<16xi32>
    %broadcast_in_dim3A_46 = vector.shape_cast %min3A_45 : vector<16xi32> to vector<16x1xi32>
    %gather3A = vector.shape_cast %broadcast_in_dim3A_46 : vector<16x1xi32> to vector<16xi32>
    %gather3A_47 = tpu.dynamic_gather %get3A_34[%gather3A] in [0] : vector<16xi32>, vector<16xi32> -> vector<16xi32>
    %slice3A = vector.extract_strided_slice %gather3A_47 {offsets = [0], sizes = [1], strides = [1]} : vector<16xi32> to vector<1xi32>
    %squeeze3A = vector.extract %slice3A[0] : i32 from vector<1xi32>
    %eq3A_48 = arith.constant 15 : i32
    %eq3A_49 = arith.cmpi eq, %select_n3A, %eq3A_48 : i32
    %slice3A_50 = vector.extract_strided_slice %gather3A_47 {offsets = [1], sizes = [1], strides = [1]} : vector<16xi32> to vector<1xi32>
    %squeeze3A_51 = vector.extract %slice3A_50[0] : i32 from vector<1xi32>
    %jit3A_52 = arith.constant 32768 : i32
    %select_n3A_53 = arith.select %eq3A_49, %jit3A_52, %squeeze3A_51 : i32
    %sub3A_54 = arith.subi %select_n3A_53, %squeeze3A : i32
    %min3A_55 = arith.constant 510 : i32
    %min3A_56 = arith.minsi %sub3A_54, %min3A_55 : i32
    %add3A_57 = arith.constant 1 : i32
    %add3A_58 = arith.addi %min3A_56, %add3A_57 : i32
    %add3A_59 = arith.addi %squeeze3A, %mul3A_32 : i32
    %sub3A_60 = arith.constant 8 : i32
    %sub3A_61 = arith.subi %add3A_59, %sub3A_60 : i32
    %jit3A_62 = arith.constant 0 : i32
    %jit3A_63 = arith.constant 32480 : i32
    %max3A = arith.maxsi %jit3A_62, %sub3A_61 : i32
    %min3A_64 = arith.minsi %jit3A_63, %max3A : i32
    %not3A = arith.constant 7 : i32
    %not3A_65 = arith.constant -1 : i32
    %not3A_66 = arith.xori %not3A, %not3A_65 : i32
    %and3A_67 = arith.andi %min3A_64, %not3A_66 : i32
    %multiple_of3A = tpu.assume_multiple %and3A_67, 8 : i32
    %add3A_68 = arith.addi %squeeze3A, %mul3A_32 : i32
    %add3A_69 = arith.constant 7 : i32
    %add3A_70 = arith.addi %add3A_68, %add3A_69 : i32
    %sub3A_71 = arith.subi %add3A_70, %multiple_of3A : i32
    %dma_start3A = arith.constant 8 : i32
    %dma_start3A_72 = tpu.memref_slice %arg6[%dma_start3A] : memref<832xi32, #tpu.memory_space<vmem>> -> memref<288xi32, #tpu.memory_space<vmem>>
    %dma_start3A_73 = tpu.memref_slice %arg3[%multiple_of3A] : memref<32768xi32, #tpu.memory_space<hbm>> -> memref<288xi32, #tpu.memory_space<hbm>>
    %dma_start3A_74 = arith.constant 8 : i32
    %dma_start3A_75 = tpu.memref_slice %arg6[%dma_start3A_74] : memref<832xi32, #tpu.memory_space<vmem>> -> memref<288xi32, #tpu.memory_space<vmem>>
    %dma_start3A_76 = tpu.memref_slice %arg3[%multiple_of3A] : memref<32768xi32, #tpu.memory_space<hbm>> -> memref<288xi32, #tpu.memory_space<hbm>>
    tpu.enqueue_dma source(%dma_start3A_76 : memref<288xi32, #tpu.memory_space<hbm>>) target(%dma_start3A_75 : memref<288xi32, #tpu.memory_space<vmem>>) target_semaphore(%arg8 : memref<!tpu.dma_semaphore, #tpu.memory_space<semaphore_mem>>)
    %add3A_77 = arith.constant 0 : i32
    %add3A_78 = arith.addi %mul3A_32, %add3A_77 : i32
    %add3A_79 = vector.broadcast %add3A_78 : i32 to vector<16xi32>
    %add3A_80 = arith.addi %add3A_79, %iota3A : vector<16xi32>
    %le3A = vector.broadcast %add3A_58 : i32 to vector<16xi32>
    %le3A_81 = arith.cmpi sle, %add3A_80, %le3A : vector<16xi32>
    %jit3A_82 = arith.constant 1 : i32
    %jit3A_83 = arith.constant 0 : i32
    %broadcast_in_dim3A_84 = vector.broadcast %jit3A_82 : i32 to vector<16xi32>
    %broadcast_in_dim3A_85 = vector.broadcast %jit3A_83 : i32 to vector<16xi32>
    %select_n3A_86 = arith.select %le3A_81, %broadcast_in_dim3A_84, %broadcast_in_dim3A_85 : vector<16xi1>, vector<16xi32>
    %swap3A = arith.constant 256 : index
    %swap3A_87 = tpu.vector_load %arg7[%swap3A] {strides = array<i32>} : memref<512xi32, #tpu.memory_space<vmem>>, vector<16xi32>,
    %swap3A_88 = vector.shape_cast %swap3A_87 : vector<16xi32> to vector<16xi32>
    %swap3A_89 = vector.shape_cast %select_n3A_86 : vector<16xi32> to vector<16xi32>
    tpu.vector_store %arg7[%swap3A], %swap3A_89 {strides = array<i32>} : memref<512xi32, #tpu.memory_space<vmem>>, vector<16xi32>,
    %add3A_90 = arith.constant 16 : i32
    %add3A_91 = arith.addi %mul3A_32, %add3A_90 : i32
    %add3A_92 = vector.broadcast %add3A_91 : i32 to vector<16xi32>
    %add3A_93 = arith.addi %add3A_92, %iota3A : vector<16xi32>
    %le3A_94 = vector.broadcast %add3A_58 : i32 to vector<16xi32>
    %le3A_95 = arith.cmpi sle, %add3A_93, %le3A_94 : vector<16xi32>
    %jit3A_96 = arith.constant 1 : i32
    %jit3A_97 = arith.constant 0 : i32
    %broadcast_in_dim3A_98 = vector.broadcast %jit3A_96 : i32 to vector<16xi32>
    %broadcast_in_dim3A_99 = vector.broadcast %jit3A_97 : i32 to vector<16xi32>
    %select_n3A_100 = arith.select %le3A_95, %broadcast_in_dim3A_98, %broadcast_in_dim3A_99 : vector<16xi1>, vector<16xi32>
    %swap3A_101 = arith.constant 272 : index
    %swap3A_102 = tpu.vector_load %arg7[%swap3A_101] {strides = array<i32>} : memref<512xi32, #tpu.memory_space<vmem>>, vector<16xi32>,
    %swap3A_103 = vector.shape_cast %swap3A_102 : vector<16xi32> to vector<16xi32>
    %swap3A_104 = vector.shape_cast %select_n3A_100 : vector<16xi32> to vector<16xi32>
    tpu.vector_store %arg7[%swap3A_101], %swap3A_104 {strides = array<i32>} : memref<512xi32, #tpu.memory_space<vmem>>, vector<16xi32>,
    %add3A_105 = arith.constant 32 : i32
    %add3A_106 = arith.addi %mul3A_32, %add3A_105 : i32
    %add3A_107 = vector.broadcast %add3A_106 : i32 to vector<16xi32>
    %add3A_108 = arith.addi %add3A_107, %iota3A : vector<16xi32>
    %le3A_109 = vector.broadcast %add3A_58 : i32 to vector<16xi32>
    %le3A_110 = arith.cmpi sle, %add3A_108, %le3A_109 : vector<16xi32>
    %jit3A_111 = arith.constant 1 : i32
    %jit3A_112 = arith.constant 0 : i32
    %broadcast_in_dim3A_113 = vector.broadcast %jit3A_111 : i32 to vector<16xi32>
    %broadcast_in_dim3A_114 = vector.broadcast %jit3A_112 : i32 to vector<16xi32>
    %select_n3A_115 = arith.select %le3A_110, %broadcast_in_dim3A_113, %broadcast_in_dim3A_114 : vector<16xi1>, vector<16xi32>
    %swap3A_116 = arith.constant 288 : index
    %swap3A_117 = tpu.vector_load %arg7[%swap3A_116] {strides = array<i32>} : memref<512xi32, #tpu.memory_space<vmem>>, vector<16xi32>,
    %swap3A_118 = vector.shape_cast %swap3A_117 : vector<16xi32> to vector<16xi32>
    %swap3A_119 = vector.shape_cast %select_n3A_115 : vector<16xi32> to vector<16xi32>
    tpu.vector_store %arg7[%swap3A_116], %swap3A_119 {strides = array<i32>} : memref<512xi32, #tpu.memory_space<vmem>>, vector<16xi32>,
    %add3A_120 = arith.constant 48 : i32
    %add3A_121 = arith.addi %mul3A_32, %add3A_120 : i32
    %add3A_122 = vector.broadcast %add3A_121 : i32 to vector<16xi32>
    %add3A_123 = arith.addi %add3A_122, %iota3A : vector<16xi32>
    %le3A_124 = vector.broadcast %add3A_58 : i32 to vector<16xi32>
    %le3A_125 = arith.cmpi sle, %add3A_123, %le3A_124 : vector<16xi32>
    %jit3A_126 = arith.constant 1 : i32
    %jit3A_127 = arith.constant 0 : i32
    %broadcast_in_dim3A_128 = vector.broadcast %jit3A_126 : i32 to vector<16xi32>
    %broadcast_in_dim3A_129 = vector.broadcast %jit3A_127 : i32 to vector<16xi32>
    %select_n3A_130 = arith.select %le3A_125, %broadcast_in_dim3A_128, %broadcast_in_dim3A_129 : vector<16xi1>, vector<16xi32>
    %swap3A_131 = arith.constant 304 : index
    %swap3A_132 = tpu.vector_load %arg7[%swap3A_131] {strides = array<i32>} : memref<512xi32, #tpu.memory_space<vmem>>, vector<16xi32>,
    %swap3A_133 = vector.shape_cast %swap3A_132 : vector<16xi32> to vector<16xi32>
    %swap3A_134 = vector.shape_cast %select_n3A_130 : vector<16xi32> to vector<16xi32>
    tpu.vector_store %arg7[%swap3A_131], %swap3A_134 {strides = array<i32>} : memref<512xi32, #tpu.memory_space<vmem>>, vector<16xi32>,
    %add3A_135 = arith.constant 64 : i32
    %add3A_136 = arith.addi %mul3A_32, %add3A_135 : i32
    %add3A_137 = vector.broadcast %add3A_136 : i32 to vector<16xi32>
    %add3A_138 = arith.addi %add3A_137, %iota3A : vector<16xi32>
    %le3A_139 = vector.broadcast %add3A_58 : i32 to vector<16xi32>
    %le3A_140 = arith.cmpi sle, %add3A_138, %le3A_139 : vector<16xi32>
    %jit3A_141 = arith.constant 1 : i32
    %jit3A_142 = arith.constant 0 : i32
    %broadcast_in_dim3A_143 = vector.broadcast %jit3A_141 : i32 to vector<16xi32>
    %broadcast_in_dim3A_144 = vector.broadcast %jit3A_142 : i32 to vector<16xi32>
    %select_n3A_145 = arith.select %le3A_140, %broadcast_in_dim3A_143, %broadcast_in_dim3A_144 : vector<16xi1>, vector<16xi32>
    %swap3A_146 = arith.constant 320 : index
    %swap3A_147 = tpu.vector_load %arg7[%swap3A_146] {strides = array<i32>} : memref<512xi32, #tpu.memory_space<vmem>>, vector<16xi32>,
    %swap3A_148 = vector.shape_cast %swap3A_147 : vector<16xi32> to vector<16xi32>
    %swap3A_149 = vector.shape_cast %select_n3A_145 : vector<16xi32> to vector<16xi32>
    tpu.vector_store %arg7[%swap3A_146], %swap3A_149 {strides = array<i32>} : memref<512xi32, #tpu.memory_space<vmem>>, vector<16xi32>,
    %add3A_150 = arith.constant 80 : i32
    %add3A_151 = arith.addi %mul3A_32, %add3A_150 : i32
    %add3A_152 = vector.broadcast %add3A_151 : i32 to vector<16xi32>
    %add3A_153 = arith.addi %add3A_152, %iota3A : vector<16xi32>
    %le3A_154 = vector.broadcast %add3A_58 : i32 to vector<16xi32>
    %le3A_155 = arith.cmpi sle, %add3A_153, %le3A_154 : vector<16xi32>
    %jit3A_156 = arith.constant 1 : i32
    %jit3A_157 = arith.constant 0 : i32
    %broadcast_in_dim3A_158 = vector.broadcast %jit3A_156 : i32 to vector<16xi32>
    %broadcast_in_dim3A_159 = vector.broadcast %jit3A_157 : i32 to vector<16xi32>
    %select_n3A_160 = arith.select %le3A_155, %broadcast_in_dim3A_158, %broadcast_in_dim3A_159 : vector<16xi1>, vector<16xi32>
    %swap3A_161 = arith.constant 336 : index
    %swap3A_162 = tpu.vector_load %arg7[%swap3A_161] {strides = array<i32>} : memref<512xi32, #tpu.memory_space<vmem>>, vector<16xi32>,
    %swap3A_163 = vector.shape_cast %swap3A_162 : vector<16xi32> to vector<16xi32>
    %swap3A_164 = vector.shape_cast %select_n3A_160 : vector<16xi32> to vector<16xi32>
    tpu.vector_store %arg7[%swap3A_161], %swap3A_164 {strides = array<i32>} : memref<512xi32, #tpu.memory_space<vmem>>, vector<16xi32>,
    %add3A_165 = arith.constant 96 : i32
    %add3A_166 = arith.addi %mul3A_32, %add3A_165 : i32
    %add3A_167 = vector.broadcast %add3A_166 : i32 to vector<16xi32>
    %add3A_168 = arith.addi %add3A_167, %iota3A : vector<16xi32>
    %le3A_169 = vector.broadcast %add3A_58 : i32 to vector<16xi32>
    %le3A_170 = arith.cmpi sle, %add3A_168, %le3A_169 : vector<16xi32>
    %jit3A_171 = arith.constant 1 : i32
    %jit3A_172 = arith.constant 0 : i32
    %broadcast_in_dim3A_173 = vector.broadcast %jit3A_171 : i32 to vector<16xi32>
    %broadcast_in_dim3A_174 = vector.broadcast %jit3A_172 : i32 to vector<16xi32>
    %select_n3A_175 = arith.select %le3A_170, %broadcast_in_dim3A_173, %broadcast_in_dim3A_174 : vector<16xi1>, vector<16xi32>
    %swap3A_176 = arith.constant 352 : index
    %swap3A_177 = tpu.vector_load %arg7[%swap3A_176] {strides = array<i32>} : memref<512xi32, #tpu.memory_space<vmem>>, vector<16xi32>,
    %swap3A_178 = vector.shape_cast %swap3A_177 : vector<16xi32> to vector<16xi32>
    %swap3A_179 = vector.shape_cast %select_n3A_175 : vector<16xi32> to vector<16xi32>
    tpu.vector_store %arg7[%swap3A_176], %swap3A_179 {strides = array<i32>} : memref<512xi32, #tpu.memory_space<vmem>>, vector<16xi32>,
    %add3A_180 = arith.constant 112 : i32
    %add3A_181 = arith.addi %mul3A_32, %add3A_180 : i32
    %add3A_182 = vector.broadcast %add3A_181 : i32 to vector<16xi32>
    %add3A_183 = arith.addi %add3A_182, %iota3A : vector<16xi32>
    %le3A_184 = vector.broadcast %add3A_58 : i32 to vector<16xi32>
    %le3A_185 = arith.cmpi sle, %add3A_183, %le3A_184 : vector<16xi32>
    %jit3A_186 = arith.constant 1 : i32
    %jit3A_187 = arith.constant 0 : i32
    %broadcast_in_dim3A_188 = vector.broadcast %jit3A_186 : i32 to vector<16xi32>
    %broadcast_in_dim3A_189 = vector.broadcast %jit3A_187 : i32 to vector<16xi32>
    %select_n3A_190 = arith.select %le3A_185, %broadcast_in_dim3A_188, %broadcast_in_dim3A_189 : vector<16xi1>, vector<16xi32>
    %swap3A_191 = arith.constant 368 : index
    %swap3A_192 = tpu.vector_load %arg7[%swap3A_191] {strides = array<i32>} : memref<512xi32, #tpu.memory_space<vmem>>, vector<16xi32>,
    %swap3A_193 = vector.shape_cast %swap3A_192 : vector<16xi32> to vector<16xi32>
    %swap3A_194 = vector.shape_cast %select_n3A_190 : vector<16xi32> to vector<16xi32>
    tpu.vector_store %arg7[%swap3A_191], %swap3A_194 {strides = array<i32>} : memref<512xi32, #tpu.memory_space<vmem>>, vector<16xi32>,
    %add3A_195 = arith.constant 128 : i32
    %add3A_196 = arith.addi %mul3A_32, %add3A_195 : i32
    %add3A_197 = vector.broadcast %add3A_196 : i32 to vector<16xi32>
    %add3A_198 = arith.addi %add3A_197, %iota3A : vector<16xi32>
    %le3A_199 = vector.broadcast %add3A_58 : i32 to vector<16xi32>
    %le3A_200 = arith.cmpi sle, %add3A_198, %le3A_199 : vector<16xi32>
    %jit3A_201 = arith.constant 1 : i32
    %jit3A_202 = arith.constant 0 : i32
    %broadcast_in_dim3A_203 = vector.broadcast %jit3A_201 : i32 to vector<16xi32>
    %broadcast_in_dim3A_204 = vector.broadcast %jit3A_202 : i32 to vector<16xi32>
    %select_n3A_205 = arith.select %le3A_200, %broadcast_in_dim3A_203, %broadcast_in_dim3A_204 : vector<16xi1>, vector<16xi32>
    %swap3A_206 = arith.constant 384 : index
    %swap3A_207 = tpu.vector_load %arg7[%swap3A_206] {strides = array<i32>} : memref<512xi32, #tpu.memory_space<vmem>>, vector<16xi32>,
    %swap3A_208 = vector.shape_cast %swap3A_207 : vector<16xi32> to vector<16xi32>
    %swap3A_209 = vector.shape_cast %select_n3A_205 : vector<16xi32> to vector<16xi32>
    tpu.vector_store %arg7[%swap3A_206], %swap3A_209 {strides = array<i32>} : memref<512xi32, #tpu.memory_space<vmem>>, vector<16xi32>,
    %add3A_210 = arith.constant 144 : i32
    %add3A_211 = arith.addi %mul3A_32, %add3A_210 : i32
    %add3A_212 = vector.broadcast %add3A_211 : i32 to vector<16xi32>
    %add3A_213 = arith.addi %add3A_212, %iota3A : vector<16xi32>
    %le3A_214 = vector.broadcast %add3A_58 : i32 to vector<16xi32>
    %le3A_215 = arith.cmpi sle, %add3A_213, %le3A_214 : vector<16xi32>
    %jit3A_216 = arith.constant 1 : i32
    %jit3A_217 = arith.constant 0 : i32
    %broadcast_in_dim3A_218 = vector.broadcast %jit3A_216 : i32 to vector<16xi32>
    %broadcast_in_dim3A_219 = vector.broadcast %jit3A_217 : i32 to vector<16xi32>
    %select_n3A_220 = arith.select %le3A_215, %broadcast_in_dim3A_218, %broadcast_in_dim3A_219 : vector<16xi1>, vector<16xi32>
    %swap3A_221 = arith.constant 400 : index
    %swap3A_222 = tpu.vector_load %arg7[%swap3A_221] {strides = array<i32>} : memref<512xi32, #tpu.memory_space<vmem>>, vector<16xi32>,
    %swap3A_223 = vector.shape_cast %swap3A_222 : vector<16xi32> to vector<16xi32>
    %swap3A_224 = vector.shape_cast %select_n3A_220 : vector<16xi32> to vector<16xi32>
    tpu.vector_store %arg7[%swap3A_221], %swap3A_224 {strides = array<i32>} : memref<512xi32, #tpu.memory_space<vmem>>, vector<16xi32>,
    %add3A_225 = arith.constant 160 : i32
    %add3A_226 = arith.addi %mul3A_32, %add3A_225 : i32
    %add3A_227 = vector.broadcast %add3A_226 : i32 to vector<16xi32>
    %add3A_228 = arith.addi %add3A_227, %iota3A : vector<16xi32>
    %le3A_229 = vector.broadcast %add3A_58 : i32 to vector<16xi32>
    %le3A_230 = arith.cmpi sle, %add3A_228, %le3A_229 : vector<16xi32>
    %jit3A_231 = arith.constant 1 : i32
    %jit3A_232 = arith.constant 0 : i32
    %broadcast_in_dim3A_233 = vector.broadcast %jit3A_231 : i32 to vector<16xi32>
    %broadcast_in_dim3A_234 = vector.broadcast %jit3A_232 : i32 to vector<16xi32>
    %select_n3A_235 = arith.select %le3A_230, %broadcast_in_dim3A_233, %broadcast_in_dim3A_234 : vector<16xi1>, vector<16xi32>
    %swap3A_236 = arith.constant 416 : index
    %swap3A_237 = tpu.vector_load %arg7[%swap3A_236] {strides = array<i32>} : memref<512xi32, #tpu.memory_space<vmem>>, vector<16xi32>,
    %swap3A_238 = vector.shape_cast %swap3A_237 : vector<16xi32> to vector<16xi32>
    %swap3A_239 = vector.shape_cast %select_n3A_235 : vector<16xi32> to vector<16xi32>
    tpu.vector_store %arg7[%swap3A_236], %swap3A_239 {strides = array<i32>} : memref<512xi32, #tpu.memory_space<vmem>>, vector<16xi32>,
    %add3A_240 = arith.constant 176 : i32
    %add3A_241 = arith.addi %mul3A_32, %add3A_240 : i32
    %add3A_242 = vector.broadcast %add3A_241 : i32 to vector<16xi32>
    %add3A_243 = arith.addi %add3A_242, %iota3A : vector<16xi32>
    %le3A_244 = vector.broadcast %add3A_58 : i32 to vector<16xi32>
    %le3A_245 = arith.cmpi sle, %add3A_243, %le3A_244 : vector<16xi32>
    %jit3A_246 = arith.constant 1 : i32
    %jit3A_247 = arith.constant 0 : i32
    %broadcast_in_dim3A_248 = vector.broadcast %jit3A_246 : i32 to vector<16xi32>
    %broadcast_in_dim3A_249 = vector.broadcast %jit3A_247 : i32 to vector<16xi32>
    %select_n3A_250 = arith.select %le3A_245, %broadcast_in_dim3A_248, %broadcast_in_dim3A_249 : vector<16xi1>, vector<16xi32>
    %swap3A_251 = arith.constant 432 : index
    %swap3A_252 = tpu.vector_load %arg7[%swap3A_251] {strides = array<i32>} : memref<512xi32, #tpu.memory_space<vmem>>, vector<16xi32>,
    %swap3A_253 = vector.shape_cast %swap3A_252 : vector<16xi32> to vector<16xi32>
    %swap3A_254 = vector.shape_cast %select_n3A_250 : vector<16xi32> to vector<16xi32>
    tpu.vector_store %arg7[%swap3A_251], %swap3A_254 {strides = array<i32>} : memref<512xi32, #tpu.memory_space<vmem>>, vector<16xi32>,
    %add3A_255 = arith.constant 192 : i32
    %add3A_256 = arith.addi %mul3A_32, %add3A_255 : i32
    %add3A_257 = vector.broadcast %add3A_256 : i32 to vector<16xi32>
    %add3A_258 = arith.addi %add3A_257, %iota3A : vector<16xi32>
    %le3A_259 = vector.broadcast %add3A_58 : i32 to vector<16xi32>
    %le3A_260 = arith.cmpi sle, %add3A_258, %le3A_259 : vector<16xi32>
    %jit3A_261 = arith.constant 1 : i32
    %jit3A_262 = arith.constant 0 : i32
    %broadcast_in_dim3A_263 = vector.broadcast %jit3A_261 : i32 to vector<16xi32>
    %broadcast_in_dim3A_264 = vector.broadcast %jit3A_262 : i32 to vector<16xi32>
    %select_n3A_265 = arith.select %le3A_260, %broadcast_in_dim3A_263, %broadcast_in_dim3A_264 : vector<16xi1>, vector<16xi32>
    %swap3A_266 = arith.constant 448 : index
    %swap3A_267 = tpu.vector_load %arg7[%swap3A_266] {strides = array<i32>} : memref<512xi32, #tpu.memory_space<vmem>>, vector<16xi32>,
    %swap3A_268 = vector.shape_cast %swap3A_267 : vector<16xi32> to vector<16xi32>
    %swap3A_269 = vector.shape_cast %select_n3A_265 : vector<16xi32> to vector<16xi32>
    tpu.vector_store %arg7[%swap3A_266], %swap3A_269 {strides = array<i32>} : memref<512xi32, #tpu.memory_space<vmem>>, vector<16xi32>,
    %add3A_270 = arith.constant 208 : i32
    %add3A_271 = arith.addi %mul3A_32, %add3A_270 : i32
    %add3A_272 = vector.broadcast %add3A_271 : i32 to vector<16xi32>
    %add3A_273 = arith.addi %add3A_272, %iota3A : vector<16xi32>
    %le3A_274 = vector.broadcast %add3A_58 : i32 to vector<16xi32>
    %le3A_275 = arith.cmpi sle, %add3A_273, %le3A_274 : vector<16xi32>
    %jit3A_276 = arith.constant 1 : i32
    %jit3A_277 = arith.constant 0 : i32
    %broadcast_in_dim3A_278 = vector.broadcast %jit3A_276 : i32 to vector<16xi32>
    %broadcast_in_dim3A_279 = vector.broadcast %jit3A_277 : i32 to vector<16xi32>
    %select_n3A_280 = arith.select %le3A_275, %broadcast_in_dim3A_278, %broadcast_in_dim3A_279 : vector<16xi1>, vector<16xi32>
    %swap3A_281 = arith.constant 464 : index
    %swap3A_282 = tpu.vector_load %arg7[%swap3A_281] {strides = array<i32>} : memref<512xi32, #tpu.memory_space<vmem>>, vector<16xi32>,
    %swap3A_283 = vector.shape_cast %swap3A_282 : vector<16xi32> to vector<16xi32>
    %swap3A_284 = vector.shape_cast %select_n3A_280 : vector<16xi32> to vector<16xi32>
    tpu.vector_store %arg7[%swap3A_281], %swap3A_284 {strides = array<i32>} : memref<512xi32, #tpu.memory_space<vmem>>, vector<16xi32>,
    %add3A_285 = arith.constant 224 : i32
    %add3A_286 = arith.addi %mul3A_32, %add3A_285 : i32
    %add3A_287 = vector.broadcast %add3A_286 : i32 to vector<16xi32>
    %add3A_288 = arith.addi %add3A_287, %iota3A : vector<16xi32>
    %le3A_289 = vector.broadcast %add3A_58 : i32 to vector<16xi32>
    %le3A_290 = arith.cmpi sle, %add3A_288, %le3A_289 : vector<16xi32>
    %jit3A_291 = arith.constant 1 : i32
    %jit3A_292 = arith.constant 0 : i32
    %broadcast_in_dim3A_293 = vector.broadcast %jit3A_291 : i32 to vector<16xi32>
    %broadcast_in_dim3A_294 = vector.broadcast %jit3A_292 : i32 to vector<16xi32>
    %select_n3A_295 = arith.select %le3A_290, %broadcast_in_dim3A_293, %broadcast_in_dim3A_294 : vector<16xi1>, vector<16xi32>
    %swap3A_296 = arith.constant 480 : index
    %swap3A_297 = tpu.vector_load %arg7[%swap3A_296] {strides = array<i32>} : memref<512xi32, #tpu.memory_space<vmem>>, vector<16xi32>,
    %swap3A_298 = vector.shape_cast %swap3A_297 : vector<16xi32> to vector<16xi32>
    %swap3A_299 = vector.shape_cast %select_n3A_295 : vector<16xi32> to vector<16xi32>
    tpu.vector_store %arg7[%swap3A_296], %swap3A_299 {strides = array<i32>} : memref<512xi32, #tpu.memory_space<vmem>>, vector<16xi32>,
    %add3A_300 = arith.constant 240 : i32
    %add3A_301 = arith.addi %mul3A_32, %add3A_300 : i32
    %add3A_302 = vector.broadcast %add3A_301 : i32 to vector<16xi32>
    %add3A_303 = arith.addi %add3A_302, %iota3A : vector<16xi32>
    %le3A_304 = vector.broadcast %add3A_58 : i32 to vector<16xi32>
    %le3A_305 = arith.cmpi sle, %add3A_303, %le3A_304 : vector<16xi32>
    %jit3A_306 = arith.constant 1 : i32
    %jit3A_307 = arith.constant 0 : i32
    %broadcast_in_dim3A_308 = vector.broadcast %jit3A_306 : i32 to vector<16xi32>
    %broadcast_in_dim3A_309 = vector.broadcast %jit3A_307 : i32 to vector<16xi32>
    %select_n3A_310 = arith.select %le3A_305, %broadcast_in_dim3A_308, %broadcast_in_dim3A_309 : vector<16xi1>, vector<16xi32>
    %swap3A_311 = arith.constant 496 : index
    %swap3A_312 = tpu.vector_load %arg7[%swap3A_311] {strides = array<i32>} : memref<512xi32, #tpu.memory_space<vmem>>, vector<16xi32>,
    %swap3A_313 = vector.shape_cast %swap3A_312 : vector<16xi32> to vector<16xi32>
    %swap3A_314 = vector.shape_cast %select_n3A_310 : vector<16xi32> to vector<16xi32>
    tpu.vector_store %arg7[%swap3A_311], %swap3A_314 {strides = array<i32>} : memref<512xi32, #tpu.memory_space<vmem>>, vector<16xi32>,
    %dma_start3A_315 = arith.constant 256 : i32
    %dma_start3A_316 = tpu.memref_slice %arg7[%dma_start3A_315] : memref<512xi32, #tpu.memory_space<vmem>> -> memref<256xi32, #tpu.memory_space<vmem>>
    %dma_start3A_317 = arith.constant 256 : i32
    %dma_start3A_318 = tpu.memref_slice %arg4[%add3A, %dma_start3A_317] : memref<32x512xi32, #tpu.memory_space<hbm>> -> memref<1x256xi32, #tpu.memory_space<hbm>>
    %dma_start3A_319 = tpu.memref_squeeze %dma_start3A_318 : memref<1x256xi32, #tpu.memory_space<hbm>> -> memref<256xi32, #tpu.memory_space<hbm>>
    %dma_start3A_320 = arith.constant 256 : i32
    %dma_start3A_321 = tpu.memref_slice %arg4[%add3A, %dma_start3A_320] : memref<32x512xi32, #tpu.memory_space<hbm>> -> memref<1x256xi32, #tpu.memory_space<hbm>>
    %dma_start3A_322 = tpu.memref_squeeze %dma_start3A_321 : memref<1x256xi32, #tpu.memory_space<hbm>> -> memref<256xi32, #tpu.memory_space<hbm>>
    %dma_start3A_323 = arith.constant 256 : i32
    %dma_start3A_324 = tpu.memref_slice %arg7[%dma_start3A_323] : memref<512xi32, #tpu.memory_space<vmem>> -> memref<256xi32, #tpu.memory_space<vmem>>
    tpu.enqueue_dma source(%dma_start3A_324 : memref<256xi32, #tpu.memory_space<vmem>>) target(%dma_start3A_322 : memref<256xi32, #tpu.memory_space<hbm>>) target_semaphore(%arg9 : memref<!tpu.dma_semaphore, #tpu.memory_space<semaphore_mem>>)
    %dma_wait3A = arith.constant 8 : i32
    %dma_wait3A_325 = tpu.memref_slice %arg6[%dma_wait3A] : memref<832xi32, #tpu.memory_space<vmem>> -> memref<288xi32, #tpu.memory_space<vmem>>
    %dma_wait3A_326 = tpu.memref_slice %arg3[%multiple_of3A] : memref<32768xi32, #tpu.memory_space<hbm>> -> memref<288xi32, #tpu.memory_space<hbm>>
    %dma_wait3A_327 = arith.constant 8 : i32
    %dma_wait3A_328 = tpu.memref_slice %arg6[%dma_wait3A_327] : memref<832xi32, #tpu.memory_space<vmem>> -> memref<288xi32, #tpu.memory_space<vmem>>
    %dma_wait3A_329 = tpu.memref_slice %arg3[%multiple_of3A] : memref<32768xi32, #tpu.memory_space<hbm>> -> memref<288xi32, #tpu.memory_space<hbm>>
    tpu.wait_dma2 semaphore(%arg8 : memref<!tpu.dma_semaphore, #tpu.memory_space<semaphore_mem>>) src(%dma_wait3A_329 : memref<288xi32, #tpu.memory_space<hbm>>) dst(%dma_wait3A_328 : memref<288xi32, #tpu.memory_space<vmem>>)
    %add3A_330 = arith.constant 0 : i32
    %add3A_331 = arith.addi %mul3A_32, %add3A_330 : i32
    %add3A_332 = vector.broadcast %add3A_331 : i32 to vector<16xi32>
    %add3A_333 = arith.addi %add3A_332, %iota3A : vector<16xi32>
    %add3A_334 = arith.constant 0 : i32
    %add3A_335 = arith.addi %sub3A_71, %add3A_334 : i32
    %get3A_336 = arith.index_cast %add3A_335 : i32 to index
    %get3A_337 = tpu.vector_load %arg6[%get3A_336] {strides = array<i32>} : memref<832xi32, #tpu.memory_space<vmem>>, vector<16xi32>,
    %get3A_338 = vector.shape_cast %get3A_337 : vector<16xi32> to vector<16xi32>
    %le3A_339 = vector.broadcast %add3A_58 : i32 to vector<16xi32>
    %le3A_340 = arith.cmpi sle, %add3A_333, %le3A_339 : vector<16xi32>
    %eq3A_341 = vector.broadcast %add3A_58 : i32 to vector<16xi32>
    %eq3A_342 = arith.cmpi eq, %add3A_333, %eq3A_341 : vector<16xi32>
    %jit3A_343 = arith.constant 102 : i32
    %broadcast_in_dim3A_344 = vector.broadcast %jit3A_343 : i32 to vector<16xi32>
    %select_n3A_345 = arith.select %eq3A_342, %broadcast_in_dim3A_344, %get3A_338 : vector<16xi1>, vector<16xi32>
    %jit3A_346 = arith.constant 0 : i32
    %broadcast_in_dim3A_347 = vector.broadcast %jit3A_346 : i32 to vector<16xi32>
    %select_n3A_348 = arith.select %le3A_340, %select_n3A_345, %broadcast_in_dim3A_347 : vector<16xi1>, vector<16xi32>
    %eq3A_349 = arith.constant 0 : i32
    %eq3A_350 = vector.broadcast %eq3A_349 : i32 to vector<16xi32>
    %eq3A_351 = arith.cmpi eq, %add3A_333, %eq3A_350 : vector<16xi32>
    %jit3A_352 = arith.constant 101 : i32
    %broadcast_in_dim3A_353 = vector.broadcast %jit3A_352 : i32 to vector<16xi32>
    %select_n3A_354 = arith.select %eq3A_351, %broadcast_in_dim3A_353, %select_n3A_348 : vector<16xi1>, vector<16xi32>
    %swap3A_355 = arith.constant 0 : index
    %swap3A_356 = tpu.vector_load %arg7[%swap3A_355] {strides = array<i32>} : memref<512xi32, #tpu.memory_space<vmem>>, vector<16xi32>,
    %swap3A_357 = vector.shape_cast %swap3A_356 : vector<16xi32> to vector<16xi32>
    %swap3A_358 = vector.shape_cast %select_n3A_354 : vector<16xi32> to vector<16xi32>
    tpu.vector_store %arg7[%swap3A_355], %swap3A_358 {strides = array<i32>} : memref<512xi32, #tpu.memory_space<vmem>>, vector<16xi32>,
    %add3A_359 = arith.constant 16 : i32
    %add3A_360 = arith.addi %mul3A_32, %add3A_359 : i32
    %add3A_361 = vector.broadcast %add3A_360 : i32 to vector<16xi32>
    %add3A_362 = arith.addi %add3A_361, %iota3A : vector<16xi32>
    %add3A_363 = arith.constant 16 : i32
    %add3A_364 = arith.addi %sub3A_71, %add3A_363 : i32
    %get3A_365 = arith.index_cast %add3A_364 : i32 to index
    %get3A_366 = tpu.vector_load %arg6[%get3A_365] {strides = array<i32>} : memref<832xi32, #tpu.memory_space<vmem>>, vector<16xi32>,
    %get3A_367 = vector.shape_cast %get3A_366 : vector<16xi32> to vector<16xi32>
    %le3A_368 = vector.broadcast %add3A_58 : i32 to vector<16xi32>
    %le3A_369 = arith.cmpi sle, %add3A_362, %le3A_368 : vector<16xi32>
    %eq3A_370 = vector.broadcast %add3A_58 : i32 to vector<16xi32>
    %eq3A_371 = arith.cmpi eq, %add3A_362, %eq3A_370 : vector<16xi32>
    %jit3A_372 = arith.constant 102 : i32
    %broadcast_in_dim3A_373 = vector.broadcast %jit3A_372 : i32 to vector<16xi32>
    %select_n3A_374 = arith.select %eq3A_371, %broadcast_in_dim3A_373, %get3A_367 : vector<16xi1>, vector<16xi32>
    %jit3A_375 = arith.constant 0 : i32
    %broadcast_in_dim3A_376 = vector.broadcast %jit3A_375 : i32 to vector<16xi32>
    %select_n3A_377 = arith.select %le3A_369, %select_n3A_374, %broadcast_in_dim3A_376 : vector<16xi1>, vector<16xi32>
    %swap3A_378 = arith.constant 16 : index
    %swap3A_379 = tpu.vector_load %arg7[%swap3A_378] {strides = array<i32>} : memref<512xi32, #tpu.memory_space<vmem>>, vector<16xi32>,
    %swap3A_380 = vector.shape_cast %swap3A_379 : vector<16xi32> to vector<16xi32>
    %swap3A_381 = vector.shape_cast %select_n3A_377 : vector<16xi32> to vector<16xi32>
    tpu.vector_store %arg7[%swap3A_378], %swap3A_381 {strides = array<i32>} : memref<512xi32, #tpu.memory_space<vmem>>, vector<16xi32>,
    %add3A_382 = arith.constant 32 : i32
    %add3A_383 = arith.addi %mul3A_32, %add3A_382 : i32
    %add3A_384 = vector.broadcast %add3A_383 : i32 to vector<16xi32>
    %add3A_385 = arith.addi %add3A_384, %iota3A : vector<16xi32>
    %add3A_386 = arith.constant 32 : i32
    %add3A_387 = arith.addi %sub3A_71, %add3A_386 : i32
    %get3A_388 = arith.index_cast %add3A_387 : i32 to index
    %get3A_389 = tpu.vector_load %arg6[%get3A_388] {strides = array<i32>} : memref<832xi32, #tpu.memory_space<vmem>>, vector<16xi32>,
    %get3A_390 = vector.shape_cast %get3A_389 : vector<16xi32> to vector<16xi32>
    %le3A_391 = vector.broadcast %add3A_58 : i32 to vector<16xi32>
    %le3A_392 = arith.cmpi sle, %add3A_385, %le3A_391 : vector<16xi32>
    %eq3A_393 = vector.broadcast %add3A_58 : i32 to vector<16xi32>
    %eq3A_394 = arith.cmpi eq, %add3A_385, %eq3A_393 : vector<16xi32>
    %jit3A_395 = arith.constant 102 : i32
    %broadcast_in_dim3A_396 = vector.broadcast %jit3A_395 : i32 to vector<16xi32>
    %select_n3A_397 = arith.select %eq3A_394, %broadcast_in_dim3A_396, %get3A_390 : vector<16xi1>, vector<16xi32>
    %jit3A_398 = arith.constant 0 : i32
    %broadcast_in_dim3A_399 = vector.broadcast %jit3A_398 : i32 to vector<16xi32>
    %select_n3A_400 = arith.select %le3A_392, %select_n3A_397, %broadcast_in_dim3A_399 : vector<16xi1>, vector<16xi32>
    %swap3A_401 = arith.constant 32 : index
    %swap3A_402 = tpu.vector_load %arg7[%swap3A_401] {strides = array<i32>} : memref<512xi32, #tpu.memory_space<vmem>>, vector<16xi32>,
    %swap3A_403 = vector.shape_cast %swap3A_402 : vector<16xi32> to vector<16xi32>
    %swap3A_404 = vector.shape_cast %select_n3A_400 : vector<16xi32> to vector<16xi32>
    tpu.vector_store %arg7[%swap3A_401], %swap3A_404 {strides = array<i32>} : memref<512xi32, #tpu.memory_space<vmem>>, vector<16xi32>,
    %add3A_405 = arith.constant 48 : i32
    %add3A_406 = arith.addi %mul3A_32, %add3A_405 : i32
    %add3A_407 = vector.broadcast %add3A_406 : i32 to vector<16xi32>
    %add3A_408 = arith.addi %add3A_407, %iota3A : vector<16xi32>
    %add3A_409 = arith.constant 48 : i32
    %add3A_410 = arith.addi %sub3A_71, %add3A_409 : i32
    %get3A_411 = arith.index_cast %add3A_410 : i32 to index
    %get3A_412 = tpu.vector_load %arg6[%get3A_411] {strides = array<i32>} : memref<832xi32, #tpu.memory_space<vmem>>, vector<16xi32>,
    %get3A_413 = vector.shape_cast %get3A_412 : vector<16xi32> to vector<16xi32>
    %le3A_414 = vector.broadcast %add3A_58 : i32 to vector<16xi32>
    %le3A_415 = arith.cmpi sle, %add3A_408, %le3A_414 : vector<16xi32>
    %eq3A_416 = vector.broadcast %add3A_58 : i32 to vector<16xi32>
    %eq3A_417 = arith.cmpi eq, %add3A_408, %eq3A_416 : vector<16xi32>
    %jit3A_418 = arith.constant 102 : i32
    %broadcast_in_dim3A_419 = vector.broadcast %jit3A_418 : i32 to vector<16xi32>
    %select_n3A_420 = arith.select %eq3A_417, %broadcast_in_dim3A_419, %get3A_413 : vector<16xi1>, vector<16xi32>
    %jit3A_421 = arith.constant 0 : i32
    %broadcast_in_dim3A_422 = vector.broadcast %jit3A_421 : i32 to vector<16xi32>
    %select_n3A_423 = arith.select %le3A_415, %select_n3A_420, %broadcast_in_dim3A_422 : vector<16xi1>, vector<16xi32>
    %swap3A_424 = arith.constant 48 : index
    %swap3A_425 = tpu.vector_load %arg7[%swap3A_424] {strides = array<i32>} : memref<512xi32, #tpu.memory_space<vmem>>, vector<16xi32>,
    %swap3A_426 = vector.shape_cast %swap3A_425 : vector<16xi32> to vector<16xi32>
    %swap3A_427 = vector.shape_cast %select_n3A_423 : vector<16xi32> to vector<16xi32>
    tpu.vector_store %arg7[%swap3A_424], %swap3A_427 {strides = array<i32>} : memref<512xi32, #tpu.memory_space<vmem>>, vector<16xi32>,
    %add3A_428 = arith.constant 64 : i32
    %add3A_429 = arith.addi %mul3A_32, %add3A_428 : i32
    %add3A_430 = vector.broadcast %add3A_429 : i32 to vector<16xi32>
    %add3A_431 = arith.addi %add3A_430, %iota3A : vector<16xi32>
    %add3A_432 = arith.constant 64 : i32
    %add3A_433 = arith.addi %sub3A_71, %add3A_432 : i32
    %get3A_434 = arith.index_cast %add3A_433 : i32 to index
    %get3A_435 = tpu.vector_load %arg6[%get3A_434] {strides = array<i32>} : memref<832xi32, #tpu.memory_space<vmem>>, vector<16xi32>,
    %get3A_436 = vector.shape_cast %get3A_435 : vector<16xi32> to vector<16xi32>
    %le3A_437 = vector.broadcast %add3A_58 : i32 to vector<16xi32>
    %le3A_438 = arith.cmpi sle, %add3A_431, %le3A_437 : vector<16xi32>
    %eq3A_439 = vector.broadcast %add3A_58 : i32 to vector<16xi32>
    %eq3A_440 = arith.cmpi eq, %add3A_431, %eq3A_439 : vector<16xi32>
    %jit3A_441 = arith.constant 102 : i32
    %broadcast_in_dim3A_442 = vector.broadcast %jit3A_441 : i32 to vector<16xi32>
    %select_n3A_443 = arith.select %eq3A_440, %broadcast_in_dim3A_442, %get3A_436 : vector<16xi1>, vector<16xi32>
    %jit3A_444 = arith.constant 0 : i32
    %broadcast_in_dim3A_445 = vector.broadcast %jit3A_444 : i32 to vector<16xi32>
    %select_n3A_446 = arith.select %le3A_438, %select_n3A_443, %broadcast_in_dim3A_445 : vector<16xi1>, vector<16xi32>
    %swap3A_447 = arith.constant 64 : index
    %swap3A_448 = tpu.vector_load %arg7[%swap3A_447] {strides = array<i32>} : memref<512xi32, #tpu.memory_space<vmem>>, vector<16xi32>,
    %swap3A_449 = vector.shape_cast %swap3A_448 : vector<16xi32> to vector<16xi32>
    %swap3A_450 = vector.shape_cast %select_n3A_446 : vector<16xi32> to vector<16xi32>
    tpu.vector_store %arg7[%swap3A_447], %swap3A_450 {strides = array<i32>} : memref<512xi32, #tpu.memory_space<vmem>>, vector<16xi32>,
    %add3A_451 = arith.constant 80 : i32
    %add3A_452 = arith.addi %mul3A_32, %add3A_451 : i32
    %add3A_453 = vector.broadcast %add3A_452 : i32 to vector<16xi32>
    %add3A_454 = arith.addi %add3A_453, %iota3A : vector<16xi32>
    %add3A_455 = arith.constant 80 : i32
    %add3A_456 = arith.addi %sub3A_71, %add3A_455 : i32
    %get3A_457 = arith.index_cast %add3A_456 : i32 to index
    %get3A_458 = tpu.vector_load %arg6[%get3A_457] {strides = array<i32>} : memref<832xi32, #tpu.memory_space<vmem>>, vector<16xi32>,
    %get3A_459 = vector.shape_cast %get3A_458 : vector<16xi32> to vector<16xi32>
    %le3A_460 = vector.broadcast %add3A_58 : i32 to vector<16xi32>
    %le3A_461 = arith.cmpi sle, %add3A_454, %le3A_460 : vector<16xi32>
    %eq3A_462 = vector.broadcast %add3A_58 : i32 to vector<16xi32>
    %eq3A_463 = arith.cmpi eq, %add3A_454, %eq3A_462 : vector<16xi32>
    %jit3A_464 = arith.constant 102 : i32
    %broadcast_in_dim3A_465 = vector.broadcast %jit3A_464 : i32 to vector<16xi32>
    %select_n3A_466 = arith.select %eq3A_463, %broadcast_in_dim3A_465, %get3A_459 : vector<16xi1>, vector<16xi32>
    %jit3A_467 = arith.constant 0 : i32
    %broadcast_in_dim3A_468 = vector.broadcast %jit3A_467 : i32 to vector<16xi32>
    %select_n3A_469 = arith.select %le3A_461, %select_n3A_466, %broadcast_in_dim3A_468 : vector<16xi1>, vector<16xi32>
    %swap3A_470 = arith.constant 80 : index
    %swap3A_471 = tpu.vector_load %arg7[%swap3A_470] {strides = array<i32>} : memref<512xi32, #tpu.memory_space<vmem>>, vector<16xi32>,
    %swap3A_472 = vector.shape_cast %swap3A_471 : vector<16xi32> to vector<16xi32>
    %swap3A_473 = vector.shape_cast %select_n3A_469 : vector<16xi32> to vector<16xi32>
    tpu.vector_store %arg7[%swap3A_470], %swap3A_473 {strides = array<i32>} : memref<512xi32, #tpu.memory_space<vmem>>, vector<16xi32>,
    %add3A_474 = arith.constant 96 : i32
    %add3A_475 = arith.addi %mul3A_32, %add3A_474 : i32
    %add3A_476 = vector.broadcast %add3A_475 : i32 to vector<16xi32>
    %add3A_477 = arith.addi %add3A_476, %iota3A : vector<16xi32>
    %add3A_478 = arith.constant 96 : i32
    %add3A_479 = arith.addi %sub3A_71, %add3A_478 : i32
    %get3A_480 = arith.index_cast %add3A_479 : i32 to index
    %get3A_481 = tpu.vector_load %arg6[%get3A_480] {strides = array<i32>} : memref<832xi32, #tpu.memory_space<vmem>>, vector<16xi32>,
    %get3A_482 = vector.shape_cast %get3A_481 : vector<16xi32> to vector<16xi32>
    %le3A_483 = vector.broadcast %add3A_58 : i32 to vector<16xi32>
    %le3A_484 = arith.cmpi sle, %add3A_477, %le3A_483 : vector<16xi32>
    %eq3A_485 = vector.broadcast %add3A_58 : i32 to vector<16xi32>
    %eq3A_486 = arith.cmpi eq, %add3A_477, %eq3A_485 : vector<16xi32>
    %jit3A_487 = arith.constant 102 : i32
    %broadcast_in_dim3A_488 = vector.broadcast %jit3A_487 : i32 to vector<16xi32>
    %select_n3A_489 = arith.select %eq3A_486, %broadcast_in_dim3A_488, %get3A_482 : vector<16xi1>, vector<16xi32>
    %jit3A_490 = arith.constant 0 : i32
    %broadcast_in_dim3A_491 = vector.broadcast %jit3A_490 : i32 to vector<16xi32>
    %select_n3A_492 = arith.select %le3A_484, %select_n3A_489, %broadcast_in_dim3A_491 : vector<16xi1>, vector<16xi32>
    %swap3A_493 = arith.constant 96 : index
    %swap3A_494 = tpu.vector_load %arg7[%swap3A_493] {strides = array<i32>} : memref<512xi32, #tpu.memory_space<vmem>>, vector<16xi32>,
    %swap3A_495 = vector.shape_cast %swap3A_494 : vector<16xi32> to vector<16xi32>
    %swap3A_496 = vector.shape_cast %select_n3A_492 : vector<16xi32> to vector<16xi32>
    tpu.vector_store %arg7[%swap3A_493], %swap3A_496 {strides = array<i32>} : memref<512xi32, #tpu.memory_space<vmem>>, vector<16xi32>,
    %add3A_497 = arith.constant 112 : i32
    %add3A_498 = arith.addi %mul3A_32, %add3A_497 : i32
    %add3A_499 = vector.broadcast %add3A_498 : i32 to vector<16xi32>
    %add3A_500 = arith.addi %add3A_499, %iota3A : vector<16xi32>
    %add3A_501 = arith.constant 112 : i32
    %add3A_502 = arith.addi %sub3A_71, %add3A_501 : i32
    %get3A_503 = arith.index_cast %add3A_502 : i32 to index
    %get3A_504 = tpu.vector_load %arg6[%get3A_503] {strides = array<i32>} : memref<832xi32, #tpu.memory_space<vmem>>, vector<16xi32>,
    %get3A_505 = vector.shape_cast %get3A_504 : vector<16xi32> to vector<16xi32>
    %le3A_506 = vector.broadcast %add3A_58 : i32 to vector<16xi32>
    %le3A_507 = arith.cmpi sle, %add3A_500, %le3A_506 : vector<16xi32>
    %eq3A_508 = vector.broadcast %add3A_58 : i32 to vector<16xi32>
    %eq3A_509 = arith.cmpi eq, %add3A_500, %eq3A_508 : vector<16xi32>
    %jit3A_510 = arith.constant 102 : i32
    %broadcast_in_dim3A_511 = vector.broadcast %jit3A_510 : i32 to vector<16xi32>
    %select_n3A_512 = arith.select %eq3A_509, %broadcast_in_dim3A_511, %get3A_505 : vector<16xi1>, vector<16xi32>
    %jit3A_513 = arith.constant 0 : i32
    %broadcast_in_dim3A_514 = vector.broadcast %jit3A_513 : i32 to vector<16xi32>
    %select_n3A_515 = arith.select %le3A_507, %select_n3A_512, %broadcast_in_dim3A_514 : vector<16xi1>, vector<16xi32>
    %swap3A_516 = arith.constant 112 : index
    %swap3A_517 = tpu.vector_load %arg7[%swap3A_516] {strides = array<i32>} : memref<512xi32, #tpu.memory_space<vmem>>, vector<16xi32>,
    %swap3A_518 = vector.shape_cast %swap3A_517 : vector<16xi32> to vector<16xi32>
    %swap3A_519 = vector.shape_cast %select_n3A_515 : vector<16xi32> to vector<16xi32>
    tpu.vector_store %arg7[%swap3A_516], %swap3A_519 {strides = array<i32>} : memref<512xi32, #tpu.memory_space<vmem>>, vector<16xi32>,
    %add3A_520 = arith.constant 128 : i32
    %add3A_521 = arith.addi %mul3A_32, %add3A_520 : i32
    %add3A_522 = vector.broadcast %add3A_521 : i32 to vector<16xi32>
    %add3A_523 = arith.addi %add3A_522, %iota3A : vector<16xi32>
    %add3A_524 = arith.constant 128 : i32
    %add3A_525 = arith.addi %sub3A_71, %add3A_524 : i32
    %get3A_526 = arith.index_cast %add3A_525 : i32 to index
    %get3A_527 = tpu.vector_load %arg6[%get3A_526] {strides = array<i32>} : memref<832xi32, #tpu.memory_space<vmem>>, vector<16xi32>,
    %get3A_528 = vector.shape_cast %get3A_527 : vector<16xi32> to vector<16xi32>
    %le3A_529 = vector.broadcast %add3A_58 : i32 to vector<16xi32>
    %le3A_530 = arith.cmpi sle, %add3A_523, %le3A_529 : vector<16xi32>
    %eq3A_531 = vector.broadcast %add3A_58 : i32 to vector<16xi32>
    %eq3A_532 = arith.cmpi eq, %add3A_523, %eq3A_531 : vector<16xi32>
    %jit3A_533 = arith.constant 102 : i32
    %broadcast_in_dim3A_534 = vector.broadcast %jit3A_533 : i32 to vector<16xi32>
    %select_n3A_535 = arith.select %eq3A_532, %broadcast_in_dim3A_534, %get3A_528 : vector<16xi1>, vector<16xi32>
    %jit3A_536 = arith.constant 0 : i32
    %broadcast_in_dim3A_537 = vector.broadcast %jit3A_536 : i32 to vector<16xi32>
    %select_n3A_538 = arith.select %le3A_530, %select_n3A_535, %broadcast_in_dim3A_537 : vector<16xi1>, vector<16xi32>
    %swap3A_539 = arith.constant 128 : index
    %swap3A_540 = tpu.vector_load %arg7[%swap3A_539] {strides = array<i32>} : memref<512xi32, #tpu.memory_space<vmem>>, vector<16xi32>,
    %swap3A_541 = vector.shape_cast %swap3A_540 : vector<16xi32> to vector<16xi32>
    %swap3A_542 = vector.shape_cast %select_n3A_538 : vector<16xi32> to vector<16xi32>
    tpu.vector_store %arg7[%swap3A_539], %swap3A_542 {strides = array<i32>} : memref<512xi32, #tpu.memory_space<vmem>>, vector<16xi32>,
    %add3A_543 = arith.constant 144 : i32
    %add3A_544 = arith.addi %mul3A_32, %add3A_543 : i32
    %add3A_545 = vector.broadcast %add3A_544 : i32 to vector<16xi32>
    %add3A_546 = arith.addi %add3A_545, %iota3A : vector<16xi32>
    %add3A_547 = arith.constant 144 : i32
    %add3A_548 = arith.addi %sub3A_71, %add3A_547 : i32
    %get3A_549 = arith.index_cast %add3A_548 : i32 to index
    %get3A_550 = tpu.vector_load %arg6[%get3A_549] {strides = array<i32>} : memref<832xi32, #tpu.memory_space<vmem>>, vector<16xi32>,
    %get3A_551 = vector.shape_cast %get3A_550 : vector<16xi32> to vector<16xi32>
    %le3A_552 = vector.broadcast %add3A_58 : i32 to vector<16xi32>
    %le3A_553 = arith.cmpi sle, %add3A_546, %le3A_552 : vector<16xi32>
    %eq3A_554 = vector.broadcast %add3A_58 : i32 to vector<16xi32>
    %eq3A_555 = arith.cmpi eq, %add3A_546, %eq3A_554 : vector<16xi32>
    %jit3A_556 = arith.constant 102 : i32
    %broadcast_in_dim3A_557 = vector.broadcast %jit3A_556 : i32 to vector<16xi32>
    %select_n3A_558 = arith.select %eq3A_555, %broadcast_in_dim3A_557, %get3A_551 : vector<16xi1>, vector<16xi32>
    %jit3A_559 = arith.constant 0 : i32
    %broadcast_in_dim3A_560 = vector.broadcast %jit3A_559 : i32 to vector<16xi32>
    %select_n3A_561 = arith.select %le3A_553, %select_n3A_558, %broadcast_in_dim3A_560 : vector<16xi1>, vector<16xi32>
    %swap3A_562 = arith.constant 144 : index
    %swap3A_563 = tpu.vector_load %arg7[%swap3A_562] {strides = array<i32>} : memref<512xi32, #tpu.memory_space<vmem>>, vector<16xi32>,
    %swap3A_564 = vector.shape_cast %swap3A_563 : vector<16xi32> to vector<16xi32>
    %swap3A_565 = vector.shape_cast %select_n3A_561 : vector<16xi32> to vector<16xi32>
    tpu.vector_store %arg7[%swap3A_562], %swap3A_565 {strides = array<i32>} : memref<512xi32, #tpu.memory_space<vmem>>, vector<16xi32>,
    %add3A_566 = arith.constant 160 : i32
    %add3A_567 = arith.addi %mul3A_32, %add3A_566 : i32
    %add3A_568 = vector.broadcast %add3A_567 : i32 to vector<16xi32>
    %add3A_569 = arith.addi %add3A_568, %iota3A : vector<16xi32>
    %add3A_570 = arith.constant 160 : i32
    %add3A_571 = arith.addi %sub3A_71, %add3A_570 : i32
    %get3A_572 = arith.index_cast %add3A_571 : i32 to index
    %get3A_573 = tpu.vector_load %arg6[%get3A_572] {strides = array<i32>} : memref<832xi32, #tpu.memory_space<vmem>>, vector<16xi32>,
    %get3A_574 = vector.shape_cast %get3A_573 : vector<16xi32> to vector<16xi32>
    %le3A_575 = vector.broadcast %add3A_58 : i32 to vector<16xi32>
    %le3A_576 = arith.cmpi sle, %add3A_569, %le3A_575 : vector<16xi32>
    %eq3A_577 = vector.broadcast %add3A_58 : i32 to vector<16xi32>
    %eq3A_578 = arith.cmpi eq, %add3A_569, %eq3A_577 : vector<16xi32>
    %jit3A_579 = arith.constant 102 : i32
    %broadcast_in_dim3A_580 = vector.broadcast %jit3A_579 : i32 to vector<16xi32>
    %select_n3A_581 = arith.select %eq3A_578, %broadcast_in_dim3A_580, %get3A_574 : vector<16xi1>, vector<16xi32>
    %jit3A_582 = arith.constant 0 : i32
    %broadcast_in_dim3A_583 = vector.broadcast %jit3A_582 : i32 to vector<16xi32>
    %select_n3A_584 = arith.select %le3A_576, %select_n3A_581, %broadcast_in_dim3A_583 : vector<16xi1>, vector<16xi32>
    %swap3A_585 = arith.constant 160 : index
    %swap3A_586 = tpu.vector_load %arg7[%swap3A_585] {strides = array<i32>} : memref<512xi32, #tpu.memory_space<vmem>>, vector<16xi32>,
    %swap3A_587 = vector.shape_cast %swap3A_586 : vector<16xi32> to vector<16xi32>
    %swap3A_588 = vector.shape_cast %select_n3A_584 : vector<16xi32> to vector<16xi32>
    tpu.vector_store %arg7[%swap3A_585], %swap3A_588 {strides = array<i32>} : memref<512xi32, #tpu.memory_space<vmem>>, vector<16xi32>,
    %add3A_589 = arith.constant 176 : i32
    %add3A_590 = arith.addi %mul3A_32, %add3A_589 : i32
    %add3A_591 = vector.broadcast %add3A_590 : i32 to vector<16xi32>
    %add3A_592 = arith.addi %add3A_591, %iota3A : vector<16xi32>
    %add3A_593 = arith.constant 176 : i32
    %add3A_594 = arith.addi %sub3A_71, %add3A_593 : i32
    %get3A_595 = arith.index_cast %add3A_594 : i32 to index
    %get3A_596 = tpu.vector_load %arg6[%get3A_595] {strides = array<i32>} : memref<832xi32, #tpu.memory_space<vmem>>, vector<16xi32>,
    %get3A_597 = vector.shape_cast %get3A_596 : vector<16xi32> to vector<16xi32>
    %le3A_598 = vector.broadcast %add3A_58 : i32 to vector<16xi32>
    %le3A_599 = arith.cmpi sle, %add3A_592, %le3A_598 : vector<16xi32>
    %eq3A_600 = vector.broadcast %add3A_58 : i32 to vector<16xi32>
    %eq3A_601 = arith.cmpi eq, %add3A_592, %eq3A_600 : vector<16xi32>
    %jit3A_602 = arith.constant 102 : i32
    %broadcast_in_dim3A_603 = vector.broadcast %jit3A_602 : i32 to vector<16xi32>
    %select_n3A_604 = arith.select %eq3A_601, %broadcast_in_dim3A_603, %get3A_597 : vector<16xi1>, vector<16xi32>
    %jit3A_605 = arith.constant 0 : i32
    %broadcast_in_dim3A_606 = vector.broadcast %jit3A_605 : i32 to vector<16xi32>
    %select_n3A_607 = arith.select %le3A_599, %select_n3A_604, %broadcast_in_dim3A_606 : vector<16xi1>, vector<16xi32>
    %swap3A_608 = arith.constant 176 : index
    %swap3A_609 = tpu.vector_load %arg7[%swap3A_608] {strides = array<i32>} : memref<512xi32, #tpu.memory_space<vmem>>, vector<16xi32>,
    %swap3A_610 = vector.shape_cast %swap3A_609 : vector<16xi32> to vector<16xi32>
    %swap3A_611 = vector.shape_cast %select_n3A_607 : vector<16xi32> to vector<16xi32>
    tpu.vector_store %arg7[%swap3A_608], %swap3A_611 {strides = array<i32>} : memref<512xi32, #tpu.memory_space<vmem>>, vector<16xi32>,
    %add3A_612 = arith.constant 192 : i32
    %add3A_613 = arith.addi %mul3A_32, %add3A_612 : i32
    %add3A_614 = vector.broadcast %add3A_613 : i32 to vector<16xi32>
    %add3A_615 = arith.addi %add3A_614, %iota3A : vector<16xi32>
    %add3A_616 = arith.constant 192 : i32
    %add3A_617 = arith.addi %sub3A_71, %add3A_616 : i32
    %get3A_618 = arith.index_cast %add3A_617 : i32 to index
    %get3A_619 = tpu.vector_load %arg6[%get3A_618] {strides = array<i32>} : memref<832xi32, #tpu.memory_space<vmem>>, vector<16xi32>,
    %get3A_620 = vector.shape_cast %get3A_619 : vector<16xi32> to vector<16xi32>
    %le3A_621 = vector.broadcast %add3A_58 : i32 to vector<16xi32>
    %le3A_622 = arith.cmpi sle, %add3A_615, %le3A_621 : vector<16xi32>
    %eq3A_623 = vector.broadcast %add3A_58 : i32 to vector<16xi32>
    %eq3A_624 = arith.cmpi eq, %add3A_615, %eq3A_623 : vector<16xi32>
    %jit3A_625 = arith.constant 102 : i32
    %broadcast_in_dim3A_626 = vector.broadcast %jit3A_625 : i32 to vector<16xi32>
    %select_n3A_627 = arith.select %eq3A_624, %broadcast_in_dim3A_626, %get3A_620 : vector<16xi1>, vector<16xi32>
    %jit3A_628 = arith.constant 0 : i32
    %broadcast_in_dim3A_629 = vector.broadcast %jit3A_628 : i32 to vector<16xi32>
    %select_n3A_630 = arith.select %le3A_622, %select_n3A_627, %broadcast_in_dim3A_629 : vector<16xi1>, vector<16xi32>
    %swap3A_631 = arith.constant 192 : index
    %swap3A_632 = tpu.vector_load %arg7[%swap3A_631] {strides = array<i32>} : memref<512xi32, #tpu.memory_space<vmem>>, vector<16xi32>,
    %swap3A_633 = vector.shape_cast %swap3A_632 : vector<16xi32> to vector<16xi32>
    %swap3A_634 = vector.shape_cast %select_n3A_630 : vector<16xi32> to vector<16xi32>
    tpu.vector_store %arg7[%swap3A_631], %swap3A_634 {strides = array<i32>} : memref<512xi32, #tpu.memory_space<vmem>>, vector<16xi32>,
    %add3A_635 = arith.constant 208 : i32
    %add3A_636 = arith.addi %mul3A_32, %add3A_635 : i32
    %add3A_637 = vector.broadcast %add3A_636 : i32 to vector<16xi32>
    %add3A_638 = arith.addi %add3A_637, %iota3A : vector<16xi32>
    %add3A_639 = arith.constant 208 : i32
    %add3A_640 = arith.addi %sub3A_71, %add3A_639 : i32
    %get3A_641 = arith.index_cast %add3A_640 : i32 to index
    %get3A_642 = tpu.vector_load %arg6[%get3A_641] {strides = array<i32>} : memref<832xi32, #tpu.memory_space<vmem>>, vector<16xi32>,
    %get3A_643 = vector.shape_cast %get3A_642 : vector<16xi32> to vector<16xi32>
    %le3A_644 = vector.broadcast %add3A_58 : i32 to vector<16xi32>
    %le3A_645 = arith.cmpi sle, %add3A_638, %le3A_644 : vector<16xi32>
    %eq3A_646 = vector.broadcast %add3A_58 : i32 to vector<16xi32>
    %eq3A_647 = arith.cmpi eq, %add3A_638, %eq3A_646 : vector<16xi32>
    %jit3A_648 = arith.constant 102 : i32
    %broadcast_in_dim3A_649 = vector.broadcast %jit3A_648 : i32 to vector<16xi32>
    %select_n3A_650 = arith.select %eq3A_647, %broadcast_in_dim3A_649, %get3A_643 : vector<16xi1>, vector<16xi32>
    %jit3A_651 = arith.constant 0 : i32
    %broadcast_in_dim3A_652 = vector.broadcast %jit3A_651 : i32 to vector<16xi32>
    %select_n3A_653 = arith.select %le3A_645, %select_n3A_650, %broadcast_in_dim3A_652 : vector<16xi1>, vector<16xi32>
    %swap3A_654 = arith.constant 208 : index
    %swap3A_655 = tpu.vector_load %arg7[%swap3A_654] {strides = array<i32>} : memref<512xi32, #tpu.memory_space<vmem>>, vector<16xi32>,
    %swap3A_656 = vector.shape_cast %swap3A_655 : vector<16xi32> to vector<16xi32>
    %swap3A_657 = vector.shape_cast %select_n3A_653 : vector<16xi32> to vector<16xi32>
    tpu.vector_store %arg7[%swap3A_654], %swap3A_657 {strides = array<i32>} : memref<512xi32, #tpu.memory_space<vmem>>, vector<16xi32>,
    %add3A_658 = arith.constant 224 : i32
    %add3A_659 = arith.addi %mul3A_32, %add3A_658 : i32
    %add3A_660 = vector.broadcast %add3A_659 : i32 to vector<16xi32>
    %add3A_661 = arith.addi %add3A_660, %iota3A : vector<16xi32>
    %add3A_662 = arith.constant 224 : i32
    %add3A_663 = arith.addi %sub3A_71, %add3A_662 : i32
    %get3A_664 = arith.index_cast %add3A_663 : i32 to index
    %get3A_665 = tpu.vector_load %arg6[%get3A_664] {strides = array<i32>} : memref<832xi32, #tpu.memory_space<vmem>>, vector<16xi32>,
    %get3A_666 = vector.shape_cast %get3A_665 : vector<16xi32> to vector<16xi32>
    %le3A_667 = vector.broadcast %add3A_58 : i32 to vector<16xi32>
    %le3A_668 = arith.cmpi sle, %add3A_661, %le3A_667 : vector<16xi32>
    %eq3A_669 = vector.broadcast %add3A_58 : i32 to vector<16xi32>
    %eq3A_670 = arith.cmpi eq, %add3A_661, %eq3A_669 : vector<16xi32>
    %jit3A_671 = arith.constant 102 : i32
    %broadcast_in_dim3A_672 = vector.broadcast %jit3A_671 : i32 to vector<16xi32>
    %select_n3A_673 = arith.select %eq3A_670, %broadcast_in_dim3A_672, %get3A_666 : vector<16xi1>, vector<16xi32>
    %jit3A_674 = arith.constant 0 : i32
    %broadcast_in_dim3A_675 = vector.broadcast %jit3A_674 : i32 to vector<16xi32>
    %select_n3A_676 = arith.select %le3A_668, %select_n3A_673, %broadcast_in_dim3A_675 : vector<16xi1>, vector<16xi32>
    %swap3A_677 = arith.constant 224 : index
    %swap3A_678 = tpu.vector_load %arg7[%swap3A_677] {strides = array<i32>} : memref<512xi32, #tpu.memory_space<vmem>>, vector<16xi32>,
    %swap3A_679 = vector.shape_cast %swap3A_678 : vector<16xi32> to vector<16xi32>
    %swap3A_680 = vector.shape_cast %select_n3A_676 : vector<16xi32> to vector<16xi32>
    tpu.vector_store %arg7[%swap3A_677], %swap3A_680 {strides = array<i32>} : memref<512xi32, #tpu.memory_space<vmem>>, vector<16xi32>,
    %add3A_681 = arith.constant 240 : i32
    %add3A_682 = arith.addi %mul3A_32, %add3A_681 : i32
    %add3A_683 = vector.broadcast %add3A_682 : i32 to vector<16xi32>
    %add3A_684 = arith.addi %add3A_683, %iota3A : vector<16xi32>
    %add3A_685 = arith.constant 240 : i32
    %add3A_686 = arith.addi %sub3A_71, %add3A_685 : i32
    %get3A_687 = arith.index_cast %add3A_686 : i32 to index
    %get3A_688 = tpu.vector_load %arg6[%get3A_687] {strides = array<i32>} : memref<832xi32, #tpu.memory_space<vmem>>, vector<16xi32>,
    %get3A_689 = vector.shape_cast %get3A_688 : vector<16xi32> to vector<16xi32>
    %le3A_690 = vector.broadcast %add3A_58 : i32 to vector<16xi32>
    %le3A_691 = arith.cmpi sle, %add3A_684, %le3A_690 : vector<16xi32>
    %eq3A_692 = vector.broadcast %add3A_58 : i32 to vector<16xi32>
    %eq3A_693 = arith.cmpi eq, %add3A_684, %eq3A_692 : vector<16xi32>
    %jit3A_694 = arith.constant 102 : i32
    %broadcast_in_dim3A_695 = vector.broadcast %jit3A_694 : i32 to vector<16xi32>
    %select_n3A_696 = arith.select %eq3A_693, %broadcast_in_dim3A_695, %get3A_689 : vector<16xi1>, vector<16xi32>
    %jit3A_697 = arith.constant 0 : i32
    %broadcast_in_dim3A_698 = vector.broadcast %jit3A_697 : i32 to vector<16xi32>
    %select_n3A_699 = arith.select %le3A_691, %select_n3A_696, %broadcast_in_dim3A_698 : vector<16xi1>, vector<16xi32>
    %swap3A_700 = arith.constant 240 : index
    %swap3A_701 = tpu.vector_load %arg7[%swap3A_700] {strides = array<i32>} : memref<512xi32, #tpu.memory_space<vmem>>, vector<16xi32>,
    %swap3A_702 = vector.shape_cast %swap3A_701 : vector<16xi32> to vector<16xi32>
    %swap3A_703 = vector.shape_cast %select_n3A_699 : vector<16xi32> to vector<16xi32>
    tpu.vector_store %arg7[%swap3A_700], %swap3A_703 {strides = array<i32>} : memref<512xi32, #tpu.memory_space<vmem>>, vector<16xi32>,
    %dma_start3A_704 = arith.constant 0 : i32
    %dma_start3A_705 = tpu.memref_slice %arg7[%dma_start3A_704] : memref<512xi32, #tpu.memory_space<vmem>> -> memref<256xi32, #tpu.memory_space<vmem>>
    %dma_start3A_706 = arith.constant 0 : i32
    %dma_start3A_707 = tpu.memref_slice %arg4[%add3A, %dma_start3A_706] : memref<32x512xi32, #tpu.memory_space<hbm>> -> memref<1x256xi32, #tpu.memory_space<hbm>>
    %dma_start3A_708 = tpu.memref_squeeze %dma_start3A_707 : memref<1x256xi32, #tpu.memory_space<hbm>> -> memref<256xi32, #tpu.memory_space<hbm>>
    %dma_start3A_709 = arith.constant 0 : i32
    %dma_start3A_710 = tpu.memref_slice %arg4[%add3A, %dma_start3A_709] : memref<32x512xi32, #tpu.memory_space<hbm>> -> memref<1x256xi32, #tpu.memory_space<hbm>>
    %dma_start3A_711 = tpu.memref_squeeze %dma_start3A_710 : memref<1x256xi32, #tpu.memory_space<hbm>> -> memref<256xi32, #tpu.memory_space<hbm>>
    %dma_start3A_712 = arith.constant 0 : i32
    %dma_start3A_713 = tpu.memref_slice %arg7[%dma_start3A_712] : memref<512xi32, #tpu.memory_space<vmem>> -> memref<256xi32, #tpu.memory_space<vmem>>
    tpu.enqueue_dma source(%dma_start3A_713 : memref<256xi32, #tpu.memory_space<vmem>>) target(%dma_start3A_711 : memref<256xi32, #tpu.memory_space<hbm>>) target_semaphore(%arg8 : memref<!tpu.dma_semaphore, #tpu.memory_space<semaphore_mem>>)
    %dma_wait3A_714 = arith.constant 256 : i32
    %dma_wait3A_715 = tpu.memref_slice %arg7[%dma_wait3A_714] : memref<512xi32, #tpu.memory_space<vmem>> -> memref<256xi32, #tpu.memory_space<vmem>>
    %dma_wait3A_716 = arith.constant 256 : i32
    %dma_wait3A_717 = tpu.memref_slice %arg4[%add3A, %dma_wait3A_716] : memref<32x512xi32, #tpu.memory_space<hbm>> -> memref<1x256xi32, #tpu.memory_space<hbm>>
    %dma_wait3A_718 = tpu.memref_squeeze %dma_wait3A_717 : memref<1x256xi32, #tpu.memory_space<hbm>> -> memref<256xi32, #tpu.memory_space<hbm>>
    %dma_wait3A_719 = arith.constant 256 : i32
    %dma_wait3A_720 = tpu.memref_slice %arg4[%add3A, %dma_wait3A_719] : memref<32x512xi32, #tpu.memory_space<hbm>> -> memref<1x256xi32, #tpu.memory_space<hbm>>
    %dma_wait3A_721 = tpu.memref_squeeze %dma_wait3A_720 : memref<1x256xi32, #tpu.memory_space<hbm>> -> memref<256xi32, #tpu.memory_space<hbm>>
    %dma_wait3A_722 = arith.constant 256 : i32
    %dma_wait3A_723 = tpu.memref_slice %arg7[%dma_wait3A_722] : memref<512xi32, #tpu.memory_space<vmem>> -> memref<256xi32, #tpu.memory_space<vmem>>
    tpu.wait_dma2 semaphore(%arg9 : memref<!tpu.dma_semaphore, #tpu.memory_space<semaphore_mem>>) src(%dma_wait3A_723 : memref<256xi32, #tpu.memory_space<vmem>>) dst(%dma_wait3A_721 : memref<256xi32, #tpu.memory_space<hbm>>)
    %dma_wait3A_724 = arith.constant 0 : i32
    %dma_wait3A_725 = tpu.memref_slice %arg7[%dma_wait3A_724] : memref<512xi32, #tpu.memory_space<vmem>> -> memref<256xi32, #tpu.memory_space<vmem>>
    %dma_wait3A_726 = arith.constant 0 : i32
    %dma_wait3A_727 = tpu.memref_slice %arg4[%add3A, %dma_wait3A_726] : memref<32x512xi32, #tpu.memory_space<hbm>> -> memref<1x256xi32, #tpu.memory_space<hbm>>
    %dma_wait3A_728 = tpu.memref_squeeze %dma_wait3A_727 : memref<1x256xi32, #tpu.memory_space<hbm>> -> memref<256xi32, #tpu.memory_space<hbm>>
    %dma_wait3A_729 = arith.constant 0 : i32
    %dma_wait3A_730 = tpu.memref_slice %arg4[%add3A, %dma_wait3A_729] : memref<32x512xi32, #tpu.memory_space<hbm>> -> memref<1x256xi32, #tpu.memory_space<hbm>>
    %dma_wait3A_731 = tpu.memref_squeeze %dma_wait3A_730 : memref<1x256xi32, #tpu.memory_space<hbm>> -> memref<256xi32, #tpu.memory_space<hbm>>
    %dma_wait3A_732 = arith.constant 0 : i32
    %dma_wait3A_733 = tpu.memref_slice %arg7[%dma_wait3A_732] : memref<512xi32, #tpu.memory_space<vmem>> -> memref<256xi32, #tpu.memory_space<vmem>>
    tpu.wait_dma2 semaphore(%arg8 : memref<!tpu.dma_semaphore, #tpu.memory_space<semaphore_mem>>) src(%dma_wait3A_733 : memref<256xi32, #tpu.memory_space<vmem>>) dst(%dma_wait3A_731 : memref<256xi32, #tpu.memory_space<hbm>>)
    return
  }
}

</mosaic_0001>

<sc_bundles>
// kernel: kernel.3.cloned.1.call-start
scs
__scs_entry_jumppad:
0x0: {  	(pc) =	sbr.rel $0x88, $3  }
0x1: {  	(tag) =	ssettag $0x0;
	lr =	simm.s32 $0x1  }
0x2: {  	[smem:$0x3F9F] =	sst lr;
	_ =	strace $0xD0000000  }
0x3: {  	_ = 	snop  }
0x4: {  	_ = 	snop  }
0x5: {  	_ = 	snop  }
0x6: {  	_ = 	snop  }
0x7: {  	_ = 	snop  }
__scs_overlays_trampoline_lowered:
0x8: {  	[smem:$0x3FAE] =	sst s0  }
0x9: {  	[smem:$0x3FAF] =	sst s1  }
0xa: {  	[smem:$0x3FB0] =	sst s2  }
0xb: {  	[smem:$0x3FB1] =	sst s3  }
0xc: {  	[smem:$0x3FB2] =	sst s4  }
0xd: {  	[smem:$0x3FB3] =	sst s5  }
0xe: {  	[smem:$0x3FB4] =	sst s6  }
0xf: {  	[smem:$0x3FB5] =	sst s7  }
0x10: {  	[smem:$0x3FB6] =	sst s8  }
0x11: {  	[smem:$0x3FB7] =	sst s9;
	s0 =	simm.s32 @!p0 $0x0  }
0x12: {  	s1 =	sld [smem:$0x3F9D];
	s0 =	simm.s32 @p0 $0x1  }
0x13: {  	[smem:$0x3FB8] =	sst s0;
	s0 =	simm.s32 @!p1 $0x0  }
0x14: {  	s2 =	sld [smem:$0x3F9C];
	s0 =	simm.s32 @p1 $0x1  }
0x15: {  	[smem:$0x3FB9] =	sst s0;
	s0 =	simm.s32 @!p2 $0x0  }
0x16: {  	s3 =	sld [smem:$0x3FDB];
	s0 =	simm.s32 @p2 $0x1  }
0x17: {  	s4 =	simm.s32 $0x1BF5;
	[smem:$0x3FBB] =	sst s0  }
0x18: {  	s0 =	sld [smem:$0x3F9E];
	_ =	swait.ge [sflag:s4], $0x0  }
0x19: {  	s7 =	sld [smem:$0x3F9F]  }
0x1a: {  	s8 =	sadd.s32 $0xFFFFE003, lr  }
0x1b: {  	s9 =	sadd.s32 $0xFFFFFEF7, lr;
	s5 =	simm.s32 $0xFFFFFFFF;
	p2 =	slt.u32 s8, $0xFFFFF086  }
0x1c: {  	p1 =	slt.u32 s9, $0xF7A;
	s5 =	simm.s32 @!p2 $0x0  }
0x1d: {  	s5 =	simm.s32 @p1 $0x1;
	p0 =	seq.s32 s7, s2  }
0x1e: {  	s7 =	smul.u32 @!p0 $0xF7A, s2;
	p2 =	seq.s32 @!p0 s5, $0x0  }
0x1f: {  	s9 =	smul.u32 $0xF7A, s1;
	s8 =	simm.s32 @!p0 $0x1BF5;
	p2 =	por !p2, p0  }
0x20: {  	[sflag:s8] =	ssyncset.s32 @!p0 $0xFFFFF086;
	s6 =	sadd.s32 @!p0 s3, s7;
	s7 =	simm.s32 @!p0 $0x108  }
0x21: {  	s3 =	sadd.s32 s3, s9;
	s6 =	sadd.s32 @!p0 $0x88, s6;
	s7 =	simm.s32 @p2 $0x1082  }
0x22: {  	[simem:s7], [sflag:s8] =	dma.local @!p0 [hbm:s6], $0xF7A  }
0x23: {  	s9 =	sor.u32 $0xD0000000, s2;
	s6 =	simm.s32 $0x108;
	_ =	swait.ge @!p0 [sflag:s8], $0x0  }
0x24: {  	s3 =	sadd.s32 $0x88, s3;
	s6 =	simm.s32 @!p1 $0x1082;
	[sflag:s4] =	ssyncset.s32 $0xFFFFF086  }
0x25: {  	[simem:s6], [sflag:s4] =	dma.local [hbm:s3], $0xF7A  }
0x26: {  	[smem:$0x3F9F] =	sst s1;
	(tag) =	ssettag s2;
	_ =	strace s9  }
0x27: {  	s1 =	sld [smem:$0x3FAF]  }
0x28: {  	s2 =	sld [smem:$0x3FB0]  }
0x29: {  	s4 =	sld [smem:$0x3FB2]  }
0x2a: {  	p0 =	seq.s32 s5, $0x0;
	s5 =	sld [smem:$0x3FB3]  }
0x2b: {  	s6 =	sld [smem:$0x3FB4]  }
0x2c: {  	s7 =	sld [smem:$0x3FB5]  }
0x2d: {  	s3 =	simm.s32 $0x108;
	s8 =	sld [smem:$0x3FB6]  }
0x2e: {  	s3 =	simm.s32 @!p0 $0x1082;
	s9 =	sld [smem:$0x3FB7]  }
0x2f: {  	lr =	sadd.s32 s0, s3;
	s0 =	sld [smem:$0x3FAE]  }
0x30: {  	s3 =	sld [smem:$0x3FB1]  }
0x31: {  	[smem:$0x3FBA] =	sst s10  }
0x32: {  	s10 =	sld [smem:$0x3FB8];
	_ =	sdelay $0x3  }
0x33: {  	p0 =	seq.s32 s10, $0x1;
	s10 =	sld [smem:$0x3FBA];
	_ =	sdelay $0x3  }
0x34: {  	[smem:$0x3FBA] =	sst s10  }
0x35: {  	s10 =	sld [smem:$0x3FB9];
	_ =	sdelay $0x3  }
0x36: {  	p1 =	seq.s32 s10, $0x1;
	s10 =	sld [smem:$0x3FBA];
	_ =	sdelay $0x3  }
0x37: {  	[smem:$0x3FBA] =	sst s10  }
0x38: {  	s10 =	sld [smem:$0x3FBB]  }
0x39: {  	_ = 	snop;
	(pc) =	sbr.ind lr, $3  }
0x3a: {  	_ = 	snop  }
0x3b: {  	_ = 	snop  }
0x3c: {  	p2 =	seq.s32 s10, $0x1;
	s10 =	sld [smem:$0x3FBA]  }
0x3d: {  	_ =	shalt  }
0x3e: {  	_ =	shalt  }
0x3f: {  	_ =	shalt  }
0x40: {  	_ =	shalt  }
0x41: {  	_ =	shalt  }
0x42: {  	_ =	shalt  }
0x43: {  	_ =	shalt  }
0x44: {  	_ =	shalt  }
0x45: {  	_ =	shalt  }
0x46: {  	_ =	shalt  }
0x47: {  	_ =	shalt  }
0x48: {  	_ =	shalt  }
0x49: {  	_ =	shalt  }
0x4a: {  	_ =	shalt  }
0x4b: {  	_ =	shalt  }
0x4c: {  	_ =	shalt  }
0x4d: {  	_ =	shalt  }
0x4e: {  	_ =	shalt  }
0x4f: {  	_ =	shalt  }
0x50: {  	_ =	shalt  }
0x51: {  	_ =	shalt  }
0x52: {  	_ =	shalt  }
0x53: {  	_ =	shalt  }
0x54: {  	_ =	shalt  }
0x55: {  	_ =	shalt  }
0x56: {  	_ =	shalt  }
0x57: {  	_ =	shalt  }
0x58: {  	_ =	shalt  }
0x59: {  	_ =	shalt  }
0x5a: {  	_ =	shalt  }
0x5b: {  	_ =	shalt  }
0x5c: {  	_ =	shalt  }
0x5d: {  	_ =	shalt  }
0x5e: {  	_ =	shalt  }
0x5f: {  	_ =	shalt  }
0x60: {  	_ =	shalt  }
0x61: {  	_ =	shalt  }
0x62: {  	_ =	shalt  }
0x63: {  	_ =	shalt  }
0x64: {  	_ =	shalt  }
0x65: {  	_ =	shalt  }
0x66: {  	_ =	shalt  }
0x67: {  	_ =	shalt  }
0x68: {  	_ =	shalt  }
0x69: {  	_ =	shalt  }
0x6a: {  	_ =	shalt  }
0x6b: {  	_ =	shalt  }
0x6c: {  	_ =	shalt  }
0x6d: {  	_ =	shalt  }
0x6e: {  	_ =	shalt  }
0x6f: {  	_ =	shalt  }
0x70: {  	_ =	shalt  }
0x71: {  	_ =	shalt  }
0x72: {  	_ =	shalt  }
0x73: {  	_ =	shalt  }
0x74: {  	_ =	shalt  }
0x75: {  	_ =	shalt  }
0x76: {  	_ =	shalt  }
0x77: {  	_ =	shalt  }
0x78: {  	_ =	shalt  }
0x79: {  	_ =	shalt  }
0x7a: {  	_ =	shalt  }
0x7b: {  	_ =	shalt  }
0x7c: {  	_ =	shalt  }
0x7d: {  	_ =	shalt  }
0x7e: {  	_ =	shalt  }
0x7f: {  	_ =	shalt  }
0x80: {  	_ =	shalt  }
0x81: {  	_ =	shalt  }
0x82: {  	_ =	shalt  }
0x83: {  	_ =	shalt  }
0x84: {  	_ =	shalt  }
0x85: {  	_ =	shalt  }
0x86: {  	_ =	shalt  }
0x87: {  	_ =	shalt  }
.Lfunc_end0:
.L_simem_size_0:
called_computation_lowered:
.L_overlay_start_0:
0x88: {  	s2 =	sld [smem:$0x3FD9]  }
0x89: {  	s3 =	sld [smem:$0x3FFE];
	_ =	sdelay $0x1  }
0x8a: {  	s1 =	srdreg.scid  }
0x8b: {  	s0 =	sand.u32 $0x1, s1  }
0x8c: {  	s17 =	sshll.u32 s0, $0xA;
	s2 =	sadd.s32 s3, s2  }
0x8d: {  	s2 =	sadd.s32 s2, s17  }
0x8e: {  	[smem:$0x3FC6] =	sst s2  }
0x8f: {  	_ = 	snop  }
0x90: {  	s2 =	sld [smem:$0x3FC9]  }
0x91: {  	s18 =	sld [smem:$0x3FC8];
	(tm) =	ssettm $0x1  }
0x92: {  	s4 =	sld [smem:$0x3FFB];
	_ =	sdelay $0x3  }
0x93: {  	_ =	strace s4  }
0x94: {  	s4 =	sld [smem:$0x3FFC];
	_ =	sdelay $0x3  }
0x95: {  	_ =	strace s4  }
0x96: {  	s4 =	sld [smem:$0x3FFD];
	_ =	sdelay $0x3  }
0x97: {  	_ =	strace s4  }
0x98: {  	_ =	strace $0x8FFFFFFF  }
0x99: {  	s19 =	sld [smem:$0x3FDB];
	_ =	sdelay $0x1  }
0x9a: {  	s5 =	simm.s32 $_scs_section_size  }
0x9b: {  	s6 =	simm.s32 $_size__tile_overlayer_lowered;
	s7 =	simm.s32 $_tile_overlayer_lowered  }
0x9c: {  	s22 =	simm.s32 $0x1BFF;
	s21 =	sshll.u32 s7, $0x1;
	s4 =	sadd.s32 s5, s19  }
0x9d: {  	s8 =	simm.s32 $0x0;
	s20 =	sshll.u32 s6, $0x1;
	s6 =	sadd.s32 s21, s4  }
0x9e: {  	[timem:s8], [sflag:s22] =	dma.local [hbm:s6], s20  }
0x9f: {  	_ =	swait.ge [sflag:s22], s20  }
0xa0: {  	s5 =	ssub.s32 $0x0, s20;
	[sflag:s22] =	ssyncset.done $0x0  }
0xa1: {  	[sflag:s22] =	ssyncadd.s32 s5;
	_ =	sdelay $0x1  }
0xa2: {  	s23 =	simm.s32 $0x1B8B  }
0xa3: {  	_ =	swait.ge [sflag:s23], $0x1  }
0xa4: {  	[sflag:s23] =	ssyncset.done $0x0  }
0xa5: {  	s25 =	simm.s32 $0x1B8E;
	s24 =	sld [smem:$0x3FFE];
	[sflag:s23] =	ssyncadd.s32 $0xFFFFFFFF  }
0xa6: {  	s26 =	simm.s32 $execute0_lowered;
	[smem:$0x3FD2] =	sst s25  }
0xa7: {  	s6 =	sshll.u32 s26, $0x1;
	_ =	strace $0x80000046;
	[dreg:$0x1] =	wrdreg $0xFFFFFFFF  }
0xa8: {  	s28 =	simm.s32 $_size_execute0_lowered;
	s4 =	sadd.s32 s4, s6;
	[dreg:$0x0] =	wrdreg $0x0  }
0xa9: {  	s6 =	sshll.u32 s28, $0x1;
	[dreg:$0x2] =	wrdreg s4  }
0xaa: {  	[dreg:$0x3] =	wrdreg s6  }
0xab: {  	[dreg:$0x4] =	wrdreg $0xC0  }
0xac: {  	_ =	task [dreg:s8], $0x5FFFF  }
0xad: {  	[dreg:$0x1] =	wrdreg $0xFFFFFFFF  }
0xae: {  	[dreg:$0x0] =	wrdreg $0x60  }
0xaf: {  	[dreg:$0x2] =	wrdreg s18  }
0xb0: {  	[dreg:$0x3] =	wrdreg s2  }
0xb1: {  	[dreg:$0x4] =	wrdreg s24  }
0xb2: {  	[dreg:$0x5] =	wrdreg $0x9  }
0xb3: {  	_ =	task.clear_ibuf [dreg:s8], $0x6FFFF;
	_ =	strace $0x90000046  }
0xb4: {  	s29 =	simm.s32 $0x9;
	_ =	strace $0x80000048  }
0xb5: {  	_ =	swait.ge [sflag:s29], $0x1  }
0xb6: {  	[sflag:s29] =	ssyncadd.s32 $0xFFFFFFFF  }
0xb7: {  	_ =	strace $0x90000048  }
0xb8: {  	_ =	sfence  }
0xb9: {  	s30 =	sld [smem:$0x0];
	_ =	sdelay $0x2  }
0xba: {  	s31 =	sshll.u32 s1, $0xD;
	s1 =	sshrl.u32 s1, $0x2  }
0xbb: {  	s3 =	sand.u32 $0x4000, s31;
	s1 =	sadd.s32 s1, s30  }
0xbc: {  	s0 =	sor.u32 s3, s0;
	s1 =	sshll.u32 s1, $0x11  }
0xbd: {  	s0 =	sor.u32 s1, s0  }
0xbe: {  	s0 =	sadd.s32 $0x8F2B, s0  }
0xbf: {  	[sflag:s0] =	ssyncadd.remote.s32 $0x1  }
0xc0: {  	_ =	sfence.sel $0xFFFF  }
0xc1: {  	[dreg:$0x0] =	wrdreg $0xFFFFFFFF;
	(pc) =	sbr.abs _section_cstart, $3  }
0xc2: {  	[dreg:$0x1] =	wrdreg $0xFFFFFFFF  }
0xc3: {  	_ =	task.clear_ibuf [dreg:s8], $0x2FFFF;
	_ =	strace $0x9FFFFFFF  }
0xc4: {  	(tm) =	ssettm $0x7FFFFFFF  }
0xc5: {  	_ =	shalt  }
tec
execute0_lowered:
.L_overlay_start_1:
0x0: {  	(tag) =	ssettag $0x1  }
0x1: {  	s2 =	rddreg [dreg:$0x0]  }
0x2: {  	s3 =	rddreg [dreg:$0x1]  }
0x3: {  	s8 =	rddreg [dreg:$0x2]  }
0x4: {  	s0 =	rddreg [dreg:$0x3]  }
0x5: {  	s5 =	srdreg.scid;
	s1 =	stileid.u32  }
0x6: {  	s4 =	simm.s32 $0x0;
	s14 =	sand.u32 $0x1, s5;
	s29 =	sshll.u32 s1, $0x1  }
0x7: {  	[smem:$0x7FF] =	sst s4;
	s5 =	simm.s32 $0x3;
	s10 =	sor.u32 s14, s29  }
0x8: {  	_ =	strace $0x80000047;
	p1 =	seq.s32 s14, $0x1;
	p0 =	seq.s32 s10, $0x0  }
0x9: {  	[tilespmem:s4], [sflag:$0x3] =	stream.linear.gather [hbm4b:s2+s4], $0x10, $0x38;
	[tilespmem:$0x600] =	vst v63  }
0xa: {  	p0 =	por !p0, !p1;
	_ =	swait.ge [sflag:s5], $0x10  }
0xb: {  	s6 =	simm.s32 $0x1;
	p0 =	por !p0, !p0;
	[sflag:s5] =	ssyncset.done $0x0  }
0xc: {  	v0 =	vimm.s32 $0x1;
	vm0 =	vcmask $0x300;
	s6 =	simm.s32 @!p0 $0x0;
	[sflag:s5] =	ssyncadd.s32 $0xFFFFFFF0  }
0xd: {  	v0 =	vsel vm0, $0x0, v0;
	s7 =	ssub.s32 s1, s6;
	v1 =	vld [tilespmem:$0x0]  }
0xe: {  	v0 =	vadd.s32 s7, v0  }
0xf: {  	vm11 =	vlt.s32 v0, $0xF  }
0x10: {  	v0 =	vnsel vm11, $0xF, v0  }
0x11: {  	v0 =	vand.u32 $0xF, v0  }
0x12: {  	v1 =	vperm.xlane v1, v0;
	_ =	sdelay $0x1  }
0x13: {  	(v2sf) =	vpush v1, $0x0  }
0x14: {  	(v2sf) =	vpush v1, $0x1;
	_ =	sdelay $0xd  }
0x15: {  	s6 =	sshll.u32 s14, $0x8;
	s9 =	spop (v2sf)  }
0x16: {  	p0 =	seq.s32 s7, $0xF;
	s15 =	sadd.s32 s6, s9;
	s7 =	spop (v2sf)  }
0x17: {  	s11 =	sadd.s32 $0xFFFFFFF8, s15;
	s7 =	simm.s32 @p0 $0x8000  }
0x18: {  	p1 =	sgt.s32 s11, $0x0;
	s7 =	ssub.s32 s7, s9  }
0x19: {  	s11 =	simm.s32 @!p1 $0x0;
	p1 =	slt.s32 s7, $0x1FE  }
0x1a: {  	v18 =	vlaneseq.u32;
	s30 =	sor.u32 $0xF0, s6;
	s17 =	smin.u32 s11, $0x7EE0;
	s7 =	simm.s32 @!p1 $0x1FE  }
0x1b: {  	s12 =	sor.u32 $0x10, s6;
	v1 =	vor.u32 s30, v18;
	s9 =	sadd.s32 $0x1, s7;
	s13 =	sshrl.u32 s17, $0x3  }
0x1c: {  	v5 =	vimm.s32 $0x0;
	s31 =	sor.u32 $0x30, s6;
	s7 =	simm.s32 $0x88;
	s13 =	sadd.s32 s3, s13;
	vm12 =	vle.s32 v1, s9  }
0x1d: {  	v3 =	vimm.s32 $0x0;
	v2 =	vor.u32 s12, v18;
	[tilespmem:s7], [sflag:$0x1] =	stream.linear.gather [hbm4b:s13+s4], $0x120, $0x38;
	v5 =	vsel vm12, $0xFFFFFFFF, v5;
	[tilespmem:$0x600] =	vst v63  }
0x1e: {  	s18 =	sor.u32 $0x80, s6;
	v4 =	vor.u32 s31, v18;
	vm10 =	vle.s32 v2, s9;
	v6 =	vsel vm12, $0x1, v3;
	[tilespmem:$0x1FFD0] =	vst v5  }
0x1f: {  	vm8 =	vle.s32 v4, s9;
	v7 =	vsel vm10, $0x1, v3;
	[tilespmem:$0x5F0] =	vst v6;
	v6 =	vor.u32 s18, v18  }
0x20: {  	v9 =	vimm.s32 $0x0;
	s19 =	sor.u32 $0x70, s6;
	v8 =	vsel vm8, $0x1, v3;
	[tilespmem:$0x510] =	vst v7;
	vm13 =	vle.s32 v6, s9  }
0x21: {  	v7 =	vor.u32 s19, v18;
	[tilespmem:$0x530] =	vst v8;
	v9 =	vsel vm13, $0xFFFFFFFF, v9  }
0x22: {  	s16 =	sor.u32 $0x40, s6;
	v8 =	vor.u32 s6, v18;
	vm4 =	vle.s32 v7, s9;
	v10 =	vsel vm13, $0x1, v3;
	[tilespmem:$0x1FFF0] =	vst v9  }
0x23: {  	s21 =	sor.u32 $0x20, s6;
	v5 =	vor.u32 s16, v18;
	vm14 =	vle.s32 v8, s9;
	v11 =	vsel vm4, $0x1, v3;
	[tilespmem:$0x580] =	vst v10  }
0x24: {  	s22 =	sor.u32 $0x90, s6;
	vm7 =	vle.s32 v5, s9;
	v12 =	vsel vm14, $0x1, v3;
	v10 =	vor.u32 s21, v18;
	[tilespmem:$0x570] =	vst v11  }
0x25: {  	s20 =	sor.u32 $0xA0, s6;
	v9 =	vsel vm7, $0x1, v3;
	v11 =	vor.u32 s22, v18;
	[tilespmem:$0x500] =	vst v12;
	vm13 =	vle.s32 v10, s9  }
0x26: {  	s23 =	sor.u32 $0xC0, s6;
	[tilespmem:$0x540] =	vst v9;
	v9 =	vor.u32 s20, v18;
	vm11 =	vle.s32 v11, s9;
	v14 =	vsel vm13, $0x1, v3  }
0x27: {  	s25 =	sor.u32 $0xD0, s6;
	v12 =	vor.u32 s23, v18;
	vm3 =	vle.s32 v9, s9;
	v15 =	vsel vm11, $0x1, v3;
	[tilespmem:$0x520] =	vst v14  }
0x28: {  	s24 =	sor.u32 $0x60, s6;
	vm5 =	vle.s32 v12, s9;
	v13 =	vsel vm3, $0x1, v3;
	v14 =	vor.u32 s25, v18;
	[tilespmem:$0x590] =	vst v15  }
0x29: {  	s26 =	sor.u32 $0xE0, s6;
	v16 =	vsel vm5, $0x1, v3;
	[tilespmem:$0x5A0] =	vst v13;
	v13 =	vor.u32 s24, v18;
	vm9 =	vle.s32 v14, s9  }
0x2a: {  	s29 =	sor.u32 $0x50, s6;
	v15 =	vor.u32 s26, v18;
	[tilespmem:$0x5C0] =	vst v16;
	vm1 =	vle.s32 v13, s9;
	v19 =	vsel vm9, $0x1, v3  }
0x2b: {  	s28 =	sshll.u32 s1, $0x7;
	s10 =	sshll.u32 s10, $0x4;
	s30 =	sor.u32 $0xB0, s6;
	v16 =	vor.u32 s29, v18;
	vm6 =	vle.s32 v15, s9;
	v17 =	vsel vm1, $0x1, v3;
	[tilespmem:$0x5D0] =	vst v19  }
0x2c: {  	s10 =	sor.u32 s28, s10;
	vm15 =	vle.s32 v16, s9;
	v20 =	vsel vm6, $0x1, v3;
	[tilespmem:$0x560] =	vst v17;
	v17 =	vor.u32 s30, v18  }
0x2d: {  	s10 =	sand.u32 $0x670, s10;
	v19 =	vsel vm15, $0x1, v3;
	[tilespmem:$0x5E0] =	vst v20;
	vm12 =	vle.s32 v17, s9  }
0x2e: {  	s11 =	simm.s32 $0x400;
	s13 =	simm.s32 $0x500;
	s16 =	sadd.s32 s10, s8;
	[tilespmem:$0x550] =	vst v19;
	v20 =	vsel vm12, $0x1, v3  }
0x2f: {  	s8 =	simm.s32 $0x1;
	s10 =	simm.s32 $0x80;
	s12 =	sadd.s32 $0xB00, s16;
	[tilespmem:$0x5B0] =	vst v20  }
0x30: {  	[hbm4b:s12+s10] =	stream.strided.scatter [tilespmem:s13], [sflag:$0x2], $0x100, s11, s10, $0x38;
	[tilespmem:$0x600] =	vst v63  }
0x31: {  	_ =	swait.ge [sflag:s8], $0x120  }
0x32: {  	s17 =	sand.u32 $0x7FF8, s17;
	[sflag:s8] =	ssyncset.done $0x0  }
0x33: {  	s17 =	ssub.s32 s15, s17;
	[sflag:s8] =	ssyncadd.s32 $0xFFFFFEE0  }
0x34: {  	v19 =	vld [tilespmem:s17+$0x87];
	_ =	sdelay $0x3  }
0x35: {  	vm2 =	veq.s32 v8, s9  }
0x36: {  	v20 =	vmov s6;
	v19 =	vsel vm2, $0x66, v19  }
0x37: {  	v19 =	vnsel vm14, $0x0, v19;
	vm14 =	veq.s32 v20, v18;
	v18 =	vimm.s32 $0x0  }
0x38: {  	v18 =	vsel vm14, $0xFFFFFFFF, v18  }
0x39: {  	[tilespmem:$0x1FFE0] =	vst v18;
	v18 =	vsel vm14, $0x65, v19  }
0x3a: {  	[tilespmem:$0x400] =	vst v18  }
0x3b: {  	v18 =	vld [tilespmem:s17+$0x97];
	_ =	sdelay $0x3  }
0x3c: {  	vm14 =	veq.s32 v2, s9  }
0x3d: {  	v18 =	vsel vm14, $0x66, v18  }
0x3e: {  	v18 =	vnsel vm10, $0x0, v18  }
0x3f: {  	[tilespmem:$0x410] =	vst v18  }
0x40: {  	v18 =	vld [tilespmem:s17+$0xA7];
	_ =	sdelay $0x3  }
0x41: {  	vm10 =	veq.s32 v10, s9  }
0x42: {  	v18 =	vsel vm10, $0x66, v18  }
0x43: {  	v18 =	vnsel vm13, $0x0, v18  }
0x44: {  	[tilespmem:$0x420] =	vst v18  }
0x45: {  	v18 =	vld [tilespmem:s17+$0xB7];
	_ =	sdelay $0x3  }
0x46: {  	vm14 =	veq.s32 v4, s9  }
0x47: {  	v18 =	vsel vm14, $0x66, v18  }
0x48: {  	v18 =	vnsel vm8, $0x0, v18  }
0x49: {  	[tilespmem:$0x430] =	vst v18  }
0x4a: {  	v18 =	vld [tilespmem:s17+$0xC7];
	_ =	sdelay $0x3  }
0x4b: {  	vm10 =	veq.s32 v5, s9  }
0x4c: {  	v18 =	vsel vm10, $0x66, v18  }
0x4d: {  	v18 =	vnsel vm7, $0x0, v18  }
0x4e: {  	[tilespmem:$0x440] =	vst v18  }
0x4f: {  	v18 =	vld [tilespmem:s17+$0xD7];
	_ =	sdelay $0x3  }
0x50: {  	vm13 =	veq.s32 v16, s9  }
0x51: {  	v18 =	vsel vm13, $0x66, v18  }
0x52: {  	v18 =	vnsel vm15, $0x0, v18  }
0x53: {  	[tilespmem:$0x450] =	vst v18  }
0x54: {  	v18 =	vld [tilespmem:s17+$0xE7];
	_ =	sdelay $0x3  }
0x55: {  	vm14 =	veq.s32 v13, s9  }
0x56: {  	v18 =	vsel vm14, $0x66, v18  }
0x57: {  	v18 =	vnsel vm1, $0x0, v18  }
0x58: {  	[tilespmem:$0x460] =	vst v18  }
0x59: {  	v18 =	vld [tilespmem:s17+$0xF7];
	_ =	sdelay $0x3  }
0x5a: {  	vm15 =	veq.s32 v7, s9  }
0x5b: {  	v18 =	vsel vm15, $0x66, v18  }
0x5c: {  	v18 =	vnsel vm4, $0x0, v18  }
0x5d: {  	v19 =	vld [tilespmem:$0x1FFF0];
	[tilespmem:$0x470] =	vst v18  }
0x5e: {  	v18 =	vld [tilespmem:s17+$0x107];
	_ =	sdelay $0x3  }
0x5f: {  	vm4 =	veq.s32 v6, s9  }
0x60: {  	vm7 =	vnez.u8 v19;
	v18 =	vsel vm4, $0x66, v18  }
0x61: {  	v18 =	vnsel vm7, $0x0, v18  }
0x62: {  	[tilespmem:$0x480] =	vst v18  }
0x63: {  	v18 =	vld [tilespmem:s17+$0x117];
	_ =	sdelay $0x3  }
0x64: {  	vm8 =	veq.s32 v11, s9  }
0x65: {  	v18 =	vsel vm8, $0x66, v18  }
0x66: {  	v18 =	vnsel vm11, $0x0, v18  }
0x67: {  	[tilespmem:$0x490] =	vst v18  }
0x68: {  	v18 =	vld [tilespmem:s17+$0x127];
	_ =	sdelay $0x3  }
0x69: {  	vm10 =	veq.s32 v9, s9  }
0x6a: {  	v18 =	vsel vm10, $0x66, v18  }
0x6b: {  	v18 =	vnsel vm3, $0x0, v18  }
0x6c: {  	[tilespmem:$0x4A0] =	vst v18  }
0x6d: {  	v18 =	vld [tilespmem:s17+$0x137];
	_ =	sdelay $0x3  }
0x6e: {  	vm11 =	veq.s32 v17, s9  }
0x6f: {  	v18 =	vsel vm11, $0x66, v18  }
0x70: {  	v18 =	vnsel vm12, $0x0, v18  }
0x71: {  	[tilespmem:$0x4B0] =	vst v18  }
0x72: {  	v18 =	vld [tilespmem:s17+$0x147];
	_ =	sdelay $0x3  }
0x73: {  	vm13 =	veq.s32 v12, s9  }
0x74: {  	v18 =	vsel vm13, $0x66, v18  }
0x75: {  	v18 =	vnsel vm5, $0x0, v18  }
0x76: {  	[tilespmem:$0x4C0] =	vst v18  }
0x77: {  	v18 =	vld [tilespmem:s17+$0x157];
	_ =	sdelay $0x3  }
0x78: {  	vm14 =	veq.s32 v14, s9  }
0x79: {  	s14 =	ssub.s32 $0x2, s14;
	v18 =	vsel vm14, $0x66, v18  }
0x7a: {  	s31 =	sshrl.u32 s14, $0x1;
	v18 =	vnsel vm9, $0x0, v18  }
0x7b: {  	s14 =	ssub.s32 s14, s31;
	[tilespmem:$0x4D0] =	vst v18  }
0x7c: {  	s18 =	smax.u32 s14, $0x1;
	v18 =	vld [tilespmem:s17+$0x167]  }
0x7d: {  	p1 =	sne.s32 s18, $0x1  }
.Ltmp0:
0x7e: {  	_ = 	snop;
	(pc) =	sbr.rel @!p1 .LBB2_2-.Ltmp0, $4  }
0x7f: {  	_ = 	snop  }
0x80: {  	vm15 =	veq.s32 v15, s9  }
0x81: {  	v18 =	vsel vm15, $0x66, v18  }
0x82: {  	s14 =	simm.s32 $0x2;
	s15 =	sadd.s32 $0xA00, s16;
	s16 =	sadd.s32 $0xFFFFFFFF, s18;
	v18 =	vnsel vm6, $0x0, v18  }
.LBB2_1:
0x83: {  	[tilespmem:$0x4E0] =	vst v18;
	v19 =	vld [tilespmem:$0x1FFD0]  }
0x84: {  	v18 =	vld [tilespmem:s17+$0x177];
	_ =	sdelay $0x3  }
0x85: {  	vm1 =	veq.s32 v1, s9  }
0x86: {  	vm0 =	vnez.u8 v19;
	v18 =	vsel vm1, $0x66, v18  }
0x87: {  	v18 =	vnsel vm0, $0x0, v18  }
0x88: {  	[tilespmem:$0x4F0] =	vst v18  }
0x89: {  	[hbm4b:s15+s10] =	stream.strided.scatter [tilespmem:s11], [sflag:$0x1], $0x100, s11, s10, $0x38;
	[tilespmem:$0x600] =	vst v63  }
0x8a: {  	_ =	swait.ge [sflag:s14], $0x100  }
0x8b: {  	[sflag:s14] =	ssyncset.done $0x0  }
0x8c: {  	[sflag:s14] =	ssyncadd.s32 $0xFFFFFF00  }
0x8d: {  	_ =	swait.ge [sflag:s8], $0x100  }
0x8e: {  	[sflag:s8] =	ssyncset.done $0x0  }
0x8f: {  	[sflag:s8] =	ssyncadd.s32 $0xFFFFFF00  }
0x90: {  	[tilespmem:s4], [sflag:$0x3] =	stream.linear.gather [hbm4b:s2+s4], $0x10, $0x38;
	[tilespmem:$0x600] =	vst v63  }
0x91: {  	_ =	swait.ge [sflag:s5], $0x10  }
0x92: {  	[sflag:s5] =	ssyncset.done $0x0  }
0x93: {  	[sflag:s5] =	ssyncadd.s32 $0xFFFFFFF0  }
0x94: {  	v18 =	vld [tilespmem:$0x0];
	_ =	sdelay $0x4  }
0x95: {  	v18 =	vperm.xlane v18, v0;
	_ =	sdelay $0x1  }
0x96: {  	(v2sf) =	vpush v18, $0x0  }
0x97: {  	(v2sf) =	vpush v18, $0x1;
	_ =	sdelay $0xd  }
0x98: {  	s29 =	spop (v2sf)  }
0x99: {  	s30 =	sadd.s32 s6, s29;
	s18 =	spop (v2sf)  }
0x9a: {  	s19 =	sadd.s32 $0xFFFFFFF8, s30;
	s18 =	simm.s32 @p0 $0x8000  }
0x9b: {  	p2 =	sgt.s32 s19, $0x0;
	s9 =	ssub.s32 s18, s29  }
0x9c: {  	s19 =	simm.s32 @!p2 $0x0;
	p2 =	slt.s32 s9, $0x1FE  }
0x9d: {  	s19 =	smin.u32 s19, $0x7EE0;
	s9 =	simm.s32 @!p2 $0x1FE  }
0x9e: {  	s31 =	sand.u32 $0x7FF8, s19;
	s9 =	sadd.s32 $0x1, s9;
	s19 =	sshrl.u32 s19, $0x3  }
0x9f: {  	v19 =	vimm.s32 $0x0;
	s19 =	sadd.s32 s3, s19;
	vm14 =	vle.s32 v1, s9  }
0xa0: {  	vm15 =	vle.s32 v2, s9;
	[tilespmem:s7], [sflag:$0x1] =	stream.linear.gather [hbm4b:s19+s4], $0x120, $0x38;
	v19 =	vsel vm14, $0xFFFFFFFF, v19;
	[tilespmem:$0x600] =	vst v63  }
0xa1: {  	vm13 =	vle.s32 v4, s9;
	v18 =	vsel vm15, $0x1, v3;
	[tilespmem:$0x1FFD0] =	vst v19  }
0xa2: {  	vm5 =	vle.s32 v6, s9;
	v20 =	vsel vm13, $0x1, v3;
	[tilespmem:$0x510] =	vst v18  }
0xa3: {  	vm9 =	vle.s32 v7, s9;
	v22 =	vsel vm5, $0x1, v3;
	[tilespmem:$0x530] =	vst v20  }
0xa4: {  	vm7 =	vle.s32 v9, s9;
	v21 =	vsel vm9, $0x1, v3;
	[tilespmem:$0x580] =	vst v22  }
0xa5: {  	vm8 =	vle.s32 v11, s9;
	v23 =	vsel vm7, $0x1, v3;
	[tilespmem:$0x570] =	vst v21  }
0xa6: {  	vm3 =	vle.s32 v14, s9;
	v62 =	vsel vm8, $0x1, v3;
	[tilespmem:$0x5A0] =	vst v23  }
0xa7: {  	vm12 =	vle.s32 v16, s9;
	v63 =	vsel vm3, $0x1, v3;
	[tilespmem:$0x590] =	vst v62  }
0xa8: {  	v61 =	vsel vm12, $0x1, v3;
	[tilespmem:$0x5D0] =	vst v63  }
0xa9: {  	vm11 =	vle.s32 v5, s9;
	v19 =	vsel vm14, $0x1, v3;
	[tilespmem:$0x550] =	vst v61  }
0xaa: {  	vm1 =	vle.s32 v8, s9;
	v20 =	vsel vm11, $0x1, v3;
	[tilespmem:$0x5F0] =	vst v19  }
0xab: {  	vm14 =	vle.s32 v10, s9;
	v19 =	vsel vm1, $0x1, v3;
	[tilespmem:$0x540] =	vst v20  }
0xac: {  	vm10 =	vle.s32 v13, s9;
	v18 =	vsel vm14, $0x1, v3;
	[tilespmem:$0x500] =	vst v19  }
0xad: {  	vm4 =	vle.s32 v12, s9;
	v20 =	vsel vm10, $0x1, v3;
	[tilespmem:$0x520] =	vst v18  }
0xae: {  	vm6 =	vle.s32 v17, s9;
	v19 =	vsel vm4, $0x1, v3;
	[tilespmem:$0x560] =	vst v20  }
0xaf: {  	vm2 =	vle.s32 v15, s9;
	v18 =	vsel vm6, $0x1, v3;
	[tilespmem:$0x5C0] =	vst v19  }
0xb0: {  	v19 =	vsel vm2, $0x1, v3;
	[tilespmem:$0x5B0] =	vst v18  }
0xb1: {  	[tilespmem:$0x5E0] =	vst v19  }
0xb2: {  	[hbm4b:s12+s10] =	stream.strided.scatter [tilespmem:s13], [sflag:$0x2], $0x100, s11, s10, $0x38;
	[tilespmem:$0x600] =	vst v63  }
0xb3: {  	_ =	swait.ge [sflag:s8], $0x120  }
0xb4: {  	[sflag:s8] =	ssyncset.done $0x0  }
0xb5: {  	s17 =	ssub.s32 s30, s31;
	[sflag:s8] =	ssyncadd.s32 $0xFFFFFEE0  }
0xb6: {  	v18 =	vld [tilespmem:s17+$0x87]  }
0xb7: {  	v19 =	vld [tilespmem:$0x1FFE0];
	_ =	sdelay $0x2  }
0xb8: {  	vm0 =	veq.s32 v8, s9  }
0xb9: {  	v18 =	vsel vm0, $0x66, v18  }
0xba: {  	vm0 =	vnez.u8 v19;
	v18 =	vnsel vm1, $0x0, v18  }
0xbb: {  	v18 =	vsel vm0, $0x65, v18  }
0xbc: {  	[tilespmem:$0x400] =	vst v18  }
0xbd: {  	v18 =	vld [tilespmem:s17+$0x97];
	_ =	sdelay $0x3  }
0xbe: {  	vm0 =	veq.s32 v2, s9  }
0xbf: {  	v18 =	vsel vm0, $0x66, v18  }
0xc0: {  	v18 =	vnsel vm15, $0x0, v18  }
0xc1: {  	[tilespmem:$0x410] =	vst v18  }
0xc2: {  	v18 =	vld [tilespmem:s17+$0xA7];
	_ =	sdelay $0x3  }
0xc3: {  	vm15 =	veq.s32 v10, s9  }
0xc4: {  	v18 =	vsel vm15, $0x66, v18  }
0xc5: {  	v18 =	vnsel vm14, $0x0, v18  }
0xc6: {  	[tilespmem:$0x420] =	vst v18  }
0xc7: {  	v18 =	vld [tilespmem:s17+$0xB7];
	_ =	sdelay $0x3  }
0xc8: {  	vm14 =	veq.s32 v4, s9  }
0xc9: {  	v18 =	vsel vm14, $0x66, v18  }
0xca: {  	v18 =	vnsel vm13, $0x0, v18  }
0xcb: {  	[tilespmem:$0x430] =	vst v18  }
0xcc: {  	v18 =	vld [tilespmem:s17+$0xC7];
	_ =	sdelay $0x3  }
0xcd: {  	vm15 =	veq.s32 v5, s9  }
0xce: {  	v18 =	vsel vm15, $0x66, v18  }
0xcf: {  	v18 =	vnsel vm11, $0x0, v18  }
0xd0: {  	[tilespmem:$0x440] =	vst v18  }
0xd1: {  	v18 =	vld [tilespmem:s17+$0xD7];
	_ =	sdelay $0x3  }
0xd2: {  	vm13 =	veq.s32 v16, s9  }
0xd3: {  	v18 =	vsel vm13, $0x66, v18  }
0xd4: {  	v18 =	vnsel vm12, $0x0, v18  }
0xd5: {  	[tilespmem:$0x450] =	vst v18  }
0xd6: {  	v18 =	vld [tilespmem:s17+$0xE7];
	_ =	sdelay $0x3  }
0xd7: {  	vm14 =	veq.s32 v13, s9  }
0xd8: {  	v18 =	vsel vm14, $0x66, v18  }
0xd9: {  	v18 =	vnsel vm10, $0x0, v18  }
0xda: {  	[tilespmem:$0x460] =	vst v18  }
0xdb: {  	v18 =	vld [tilespmem:s17+$0xF7];
	_ =	sdelay $0x3  }
0xdc: {  	vm15 =	veq.s32 v7, s9  }
0xdd: {  	v18 =	vsel vm15, $0x66, v18  }
0xde: {  	v18 =	vnsel vm9, $0x0, v18  }
0xdf: {  	[tilespmem:$0x470] =	vst v18  }
0xe0: {  	v18 =	vld [tilespmem:s17+$0x107];
	_ =	sdelay $0x3  }
0xe1: {  	vm9 =	veq.s32 v6, s9  }
0xe2: {  	v18 =	vsel vm9, $0x66, v18  }
0xe3: {  	v18 =	vnsel vm5, $0x0, v18  }
0xe4: {  	[tilespmem:$0x480] =	vst v18  }
0xe5: {  	v18 =	vld [tilespmem:s17+$0x117];
	_ =	sdelay $0x3  }
0xe6: {  	vm10 =	veq.s32 v11, s9  }
0xe7: {  	v18 =	vsel vm10, $0x66, v18  }
0xe8: {  	v18 =	vnsel vm8, $0x0, v18  }
0xe9: {  	[tilespmem:$0x490] =	vst v18  }
0xea: {  	v18 =	vld [tilespmem:s17+$0x127];
	_ =	sdelay $0x3  }
0xeb: {  	vm11 =	veq.s32 v9, s9  }
0xec: {  	v18 =	vsel vm11, $0x66, v18  }
0xed: {  	v18 =	vnsel vm7, $0x0, v18  }
0xee: {  	[tilespmem:$0x4A0] =	vst v18  }
0xef: {  	v18 =	vld [tilespmem:s17+$0x137];
	_ =	sdelay $0x3  }
0xf0: {  	vm12 =	veq.s32 v17, s9  }
0xf1: {  	v18 =	vsel vm12, $0x66, v18  }
0xf2: {  	v18 =	vnsel vm6, $0x0, v18  }
0xf3: {  	[tilespmem:$0x4B0] =	vst v18  }
0xf4: {  	v18 =	vld [tilespmem:s17+$0x147];
	_ =	sdelay $0x3  }
0xf5: {  	vm13 =	veq.s32 v12, s9  }
0xf6: {  	v18 =	vsel vm13, $0x66, v18  }
0xf7: {  	v18 =	vnsel vm4, $0x0, v18  }
0xf8: {  	[tilespmem:$0x4C0] =	vst v18  }
0xf9: {  	v18 =	vld [tilespmem:s17+$0x157];
	_ =	sdelay $0x3  }
0xfa: {  	vm14 =	veq.s32 v14, s9  }
0xfb: {  	v18 =	vsel vm14, $0x66, v18  }
0xfc: {  	v18 =	vnsel vm3, $0x0, v18  }
0xfd: {  	[tilespmem:$0x4D0] =	vst v18  }
0xfe: {  	v18 =	vld [tilespmem:s17+$0x167]  }
0xff: {  	p1 =	sne.s32 s16, $0x1  }
.Ltmp1:
0x100: {  	_ = 	snop;
	(pc) =	sbr.rel @p1 .LBB2_1-.Ltmp1, $4  }
0x101: {  	_ = 	snop  }
0x102: {  	vm15 =	veq.s32 v15, s9  }
0x103: {  	v18 =	vsel vm15, $0x66, v18  }
0x104: {  	s16 =	sadd.s32 $0xFFFFFFFF, s16;
	v18 =	vnsel vm2, $0x0, v18  }
.LBB2_2:
0x105: {  	[tilespmem:$0x4E0] =	vst v18;
	v63 =	vld [tilespmem:$0x1FFD0]  }
0x106: {  	v0 =	vld [tilespmem:s17+$0x177];
	_ =	sdelay $0x3  }
0x107: {  	vm0 =	veq.s32 v1, s9  }
0x108: {  	vm15 =	vnez.u8 v63;
	v0 =	vsel vm0, $0x66, v0  }
0x109: {  	v0 =	vnsel vm15, $0x0, v0  }
0x10a: {  	[tilespmem:$0x4F0] =	vst v0  }
0x10b: {  	[hbm4b:s15+s10] =	stream.strided.scatter [tilespmem:s11], [sflag:$0x1], $0x100, s11, s10, $0x38;
	[tilespmem:$0x600] =	vst v63  }
0x10c: {  	_ =	swait.ge [sflag:s14], $0x100  }
0x10d: {  	[sflag:s14] =	ssyncset.done $0x0  }
0x10e: {  	[sflag:s14] =	ssyncadd.s32 $0xFFFFFF00  }
0x10f: {  	_ =	swait.ge [sflag:s8], $0x100  }
0x110: {  	[sflag:s8] =	ssyncset.done $0x0  }
0x111: {  	[sflag:s8] =	ssyncadd.s32 $0xFFFFFF00  }
0x112: {  	_ =	sfence.sel $0x180000  }
0x113: {  	[bflag:$0x0] =	sbarrier.arrive $0xFFFF  }
0x114: {  	p0 =	sne.s32 s1, $0x0;
	_ =	strace $0x90000047  }
0x115: {  	s0 =	sadd.s32 @!p0 $0x100000, s0;
	[bflag:$0x2] =	sbarrier.arrive $0xFFFF  }
0x116: {  	[sflag:s0] =	ssyncadd.tile.s32 @!p0 $0x1;
	_ =	shalt  }
.Lfunc_end2:
_tile_overlayer_lowered:
.L_overlay_start_2:
0x117: {  	(tag) =	ssettag $0x2  }
0x118: {  	s0 =	rddreg [dreg:$0x0];
	s2 =	stileid.u32  }
0x119: {  	s1 =	rddreg [dreg:$0x1];
	p0 =	sne.s32 s2, $0x0  }
0x11a: {  	s3 =	rddreg [dreg:$0x2];
	[bflag:$0x3] =	sbarrier.arrive $0xFFFF;
	s2 =	simm.s32 @!p0 $0x1C03  }
0x11b: {  	[timem:s3], [sflag:s2] =	dma.local @!p0 [hbm:s0], s1  }
0x11c: {  	s0 =	simm.s32 @!p0 $0x3  }
0x11d: {  	_ =	swait.ge @!p0 [sflag:s0], s1  }
0x11e: {  	s1 =	ssub.s32 @!p0 $0x0, s1;
	[sflag:s0] =	ssyncset.done @!p0 $0x0  }
0x11f: {  	[sflag:s0] =	ssyncadd.s32 @!p0 s1  }
0x120: {  	[bflag:$0x3] =	sbarrier.arrive $0xFFFF  }
0x121: {  	_ =	shalt  }

</sc_bundles>
